<compile_context>
chip_gen: v7x
topology: tpu7x:2x2x1
jax: 0.10.2.dev20260603
libtpu: 0.0.44.dev20260713+nightly
codegen_flags: <defaults>
</compile_context>

<pallas_src>
import jax
import jax.numpy as jnp
from jax import lax
from jax.experimental import pallas as pl
from jax.experimental.pallas import tpu as pltpu

_MIN_CONF = 0.25
_IOU_THR = 0.45
_N = 20000
_K = 1000
_KP = 1024
_GAIN = min(640 / 1080, 640 / 1920)
_PAD_X = (640 - 1920 * _GAIN) / 2.0
_PAD_Y = (640 - 1080 * _GAIN) / 2.0


_RBASE = 624
_RSPAN = 656
_NCH = _RSPAN // 16
_MAGIC = 12582912.0


def _sc_phase_a(pred):
    from jax.experimental.pallas import tpu_sc as plsc

    mesh = plsc.VectorSubcoreMesh(core_axis_name="c", subcore_axis_name="s")

    def body(pred_hbm, out_hbm, rows_v, m_v, cid_v, rowout_v):
        wid = lax.axis_index("s") * 2 + lax.axis_index("c")
        base = wid * _RBASE
        pltpu.sync_copy(pred_hbm.at[pl.ds(base * 96, _RSPAN * 96)], rows_v)
        lane = lax.broadcasted_iota(jnp.int32, (16,), 0)

        @plsc.parallel_loop(0, _RSPAN, unroll=2)
        def rowloop(rr):
            rb = rr * 96
            cvecs = [rows_v[pl.ds(rb + 16 + 16 * k, 16)] for k in range(5)]
            mv = cvecs[0]
            for k in range(1, 5):
                mv = jnp.maximum(mv, cvecs[k])
            m_s = jnp.max(mv)
            idv = [jnp.where(cvecs[k] == m_s, k * 16 + lane, 4096)
                   for k in range(5)]
            iv = idv[0]
            for k in range(1, 5):
                iv = jnp.minimum(iv, idv[k])
            ridx = jnp.full((16,), rr, jnp.int32)
            l0 = lane == 0
            plsc.store_scatter(m_v, [ridx], jnp.full((16,), m_s), mask=l0)
            plsc.store_scatter(cid_v, [ridx],
                               jnp.full((16,), jnp.min(iv)), mask=l0)

        @plsc.parallel_loop(0, _NCH, unroll=2)
        def chunk(c):
            ids = c * 16 + lane
            flat96 = ids * 96

            def g(col):
                return plsc.load_gather(rows_v, [flat96 + col])

            xc, yc, ww, hh, obj = g(0), g(1), g(2), g(3), g(4)
            m = m_v[pl.ds(c * 16, 16)]
            cid = cid_v[pl.ds(c * 16, 16)]
            conf = obj * m
            cvalid = (cid <= 3) | (cid == 5) | (cid == 7)
            keep = (conf >= _MIN_CONF) & cvalid
            score = jnp.where(keep, conf, -1.0)
            l = (xc - ww * 0.5 - _PAD_X) / _GAIN
            t = (yc - hh * 0.5 - _PAD_Y) / _GAIN
            r = (xc + ww * 0.5 - _PAD_X) / _GAIN
            b = (yc + hh * 0.5 - _PAD_Y) / _GAIN
            flat = ids * 8
            for col, vals in enumerate(
                    [score, cid.astype(jnp.float32),
                     (l + _MAGIC) - _MAGIC, (t + _MAGIC) - _MAGIC,
                     (r + _MAGIC) - _MAGIC, (b + _MAGIC) - _MAGIC]):
                plsc.store_scatter(rowout_v, [flat + col], vals)

        pltpu.sync_copy(rowout_v, out_hbm.at[pl.ds(base * 8, _RSPAN * 8)])

    run = pl.kernel(
        body,
        out_type=jax.ShapeDtypeStruct((_N * 8,), jnp.float32),
        mesh=mesh,
        compiler_params=pltpu.CompilerParams(needs_layout_passes=False),
        scratch_types=[
            pltpu.VMEM((_RSPAN * 96,), jnp.float32),
            pltpu.VMEM((_RSPAN,), jnp.float32),
            pltpu.VMEM((_RSPAN,), jnp.int32),
            pltpu.VMEM((_RSPAN * 8,), jnp.float32),
        ],
    )
    return run(pred.reshape(-1)).reshape(_N, 8)


def _pad96(pred):
    return jnp.concatenate(
        [pred[:, 0:5], jnp.zeros((_N, 11), jnp.float32), pred[:, 5:85]],
        axis=1)


_NBLK = 8
_BROWS = _KP // _NBLK


def _nms_body(tb_col_ref, tc_col_ref, tbT_ref, tcf_ref, topv_ref,
              keep_ref, fs_ref, B_ref):
    pid = pl.program_id(0)

    @pl.when(pid < _NBLK)
    def _build():
        r0 = pid * _BROWS
        tc_c = tc_col_ref[pl.ds(r0, _BROWS), :] * 10000.0
        Lc = tb_col_ref[pl.ds(r0, _BROWS), 0:1] + tc_c
        Tc = tb_col_ref[pl.ds(r0, _BROWS), 1:2] + tc_c
        Rc = tb_col_ref[pl.ds(r0, _BROWS), 2:3] + tc_c
        Bc = tb_col_ref[pl.ds(r0, _BROWS), 3:4] + tc_c
        area_c = jnp.maximum(Rc - Lc, 0.0) * jnp.maximum(Bc - Tc, 0.0)
        tc_r = tcf_ref[...] * 10000.0
        Lr = tbT_ref[0:1, :] + tc_r
        Tr = tbT_ref[1:2, :] + tc_r
        Rr = tbT_ref[2:3, :] + tc_r
        Br = tbT_ref[3:4, :] + tc_r
        area_r = jnp.maximum(Rr - Lr, 0.0) * jnp.maximum(Br - Tr, 0.0)
        wx = jnp.clip(jnp.minimum(Rc, Rr) - jnp.maximum(Lc, Lr), 0.0, None)
        wy = jnp.clip(jnp.minimum(Bc, Br) - jnp.maximum(Tc, Tr), 0.0, None)
        inter = wx * wy
        iou = inter / (area_c + area_r - inter + 1e-9)
        ii = lax.broadcasted_iota(jnp.int32, (_BROWS, _KP), 0) + r0
        jj = lax.broadcasted_iota(jnp.int32, (_BROWS, _KP), 1)
        B_ref[pl.ds(r0, _BROWS), :] = (
            (iou > _IOU_THR) & (jj > ii)).astype(jnp.float32)

    @pl.when(pid == _NBLK)
    def _loop():
        topv = topv_ref[...]
        valid = (topv > 0.0).astype(jnp.float32)

        def cond(c):
            _, ch, t = c
            return ch & (t < _K)

        def body(c):
            kv, _, t = c
            sup = jax.lax.dot_general(
                kv, B_ref[...], (((1,), (0,)), ((), ())),
                preferred_element_type=jnp.float32)
            nk = valid * (sup == 0.0).astype(jnp.float32)
            return nk, jnp.any(nk != kv), t + 1

        kv, _, _ = lax.while_loop(
            cond, body, (valid, jnp.bool_(True), jnp.int32(0)))
        keep_ref[...] = kv
        fs_ref[...] = kv * topv


def _nms(tb_col, tc_col, tbT, tcf, topv):
    full = lambda s: pl.BlockSpec(s, lambda i: (0,) * len(s))
    return pl.pallas_call(
        _nms_body,
        grid=(_NBLK + 1,),
        in_specs=[
            full((_KP, 4)),
            full((_KP, 1)),
            full((4, _KP)),
            full((1, _KP)),
            full((1, _KP)),
        ],
        out_specs=[full((1, _KP)), full((1, _KP))],
        out_shape=[
            jax.ShapeDtypeStruct((1, _KP), jnp.float32),
            jax.ShapeDtypeStruct((1, _KP), jnp.float32),
        ],
        scratch_shapes=[pltpu.VMEM((_KP, _KP), jnp.float32)],
    )(tb_col, tc_col, tbT, tcf, topv)


def kernel(prediction, frame_h, frame_w):
    pred = prediction[0]
    packed = _sc_phase_a(_pad96(pred))
    scores = packed[:, 0]
    topv, topi = lax.top_k(scores, _K)
    g = packed[topi]
    tb = g[:, 2:6]
    tcv = g[:, 1].astype(jnp.int32)
    tb_col = jnp.pad(tb, ((0, _KP - _K), (0, 0)))
    tc_col = jnp.pad(g[:, 1:2], ((0, _KP - _K), (0, 0)))
    topv_row = jnp.pad(topv[None, :], ((0, 0), (0, _KP - _K)),
                       constant_values=-1.0)
    keep, fs = _nms(tb_col, tc_col, tb_col.T, tc_col.T, topv_row)
    keepv = keep[0, :_K]
    det = jnp.concatenate(
        [tb, fs[0, :_K, None], keepv[:, None]], axis=1)
    return det, tcv

# --- scband reference (transcript-rebuilt; emitter-appended) ---
"""Pipeline reference for scband-postprocess-24575802867982 (READ-ONLY COPY).

The authoritative reference and input builder live on the scoring server;
editing this copy changes nothing except your own understanding.
"""

import jax, jax.numpy as jnp
import numpy as np

MIN_CONF = 0.25
IOU_THR = 0.45
VALID_IDS = jnp.array([0, 1, 2, 3, 5, 7], dtype=jnp.int32)
IN_H, IN_W = 640, 640
MAX_DET = 1000


def setup_inputs(seed: int = 0) -> dict:
    key = jax.random.key(seed)
    pred = jax.random.uniform(key, (1, 20000, 85), dtype=jnp.float32)
    # scale xywh box columns to pixel coordinates of the 640x640 input
    pred = pred.at[:, :, 0:4].multiply(640.0)
    return {"prediction": pred, "frame_h": 1080, "frame_w": 1920}


def _postprocess(prediction, frame_h, frame_w):
    pred = prediction[0]                      # [N, 85]
    boxes_xywh = pred[:, 0:4]
    obj_conf = pred[:, 4]
    cls_scores = pred[:, 5:]
    class_ids = jnp.argmax(cls_scores, axis=1)
    class_conf = jnp.take_along_axis(cls_scores, class_ids[:, None], axis=1)[:, 0]
    conf = obj_conf * class_conf
    # ConfidenceFilter
    keep = conf >= MIN_CONF
    # ClassFilter (isin valid_class_ids)
    cls_valid = jnp.any(class_ids[:, None] == VALID_IDS[None, :], axis=1)
    keep = keep & cls_valid
    # xywh2ltrb
    x, y, w, h = boxes_xywh[:, 0], boxes_xywh[:, 1], boxes_xywh[:, 2], boxes_xywh[:, 3]
    ltrb = jnp.stack([x - w / 2.0, y - h / 2.0, x + w / 2.0, y + h / 2.0], axis=1)
    # scale_boxes from input_image_size to frame_shape (letterbox inverse), then round
    gain = min(IN_H / 1080, IN_W / 1920)
    pad_x = (IN_W - 1920 * gain) / 2.0
    pad_y = (IN_H - 1080 * gain) / 2.0
    dep = jnp.asarray(frame_h + frame_w, dtype=jnp.float32) * 0.0
    pad = jnp.array([pad_x, pad_y, pad_x, pad_y], dtype=jnp.float32) + dep
    ltrb = (ltrb - pad) / gain
    ltrb = jnp.round(ltrb)
    # NonMaxSuppressionFilter: take top MAX_DET candidates, greedy class-aware NMS
    scores_m = jnp.where(keep, conf, -1.0)
    topv, topi = jax.lax.top_k(scores_m, MAX_DET)
    tb = ltrb[topi]                           # [K, 4]
    tc = class_ids[topi]                      # [K]
    valid = topv > 0.0
    # class offset so NMS is per-class (batched_nms trick)
    ob = tb + tc[:, None].astype(jnp.float32) * 10000.0
    area = jnp.maximum(ob[:, 2] - ob[:, 0], 0.0) * jnp.maximum(ob[:, 3] - ob[:, 1], 0.0)
    lt = jnp.maximum(ob[:, None, :2], ob[None, :, :2])
    rb = jnp.minimum(ob[:, None, 2:], ob[None, :, 2:])
    wh = jnp.clip(rb - lt, 0.0, None)
    inter = wh[..., 0] * wh[..., 1]
    iou = inter / (area[:, None] + area[None, :] - inter + 1e-9)
    idx = jnp.arange(MAX_DET)

    def body(i, keepv):
        sup = (iou[i] > IOU_THR) & (idx > i) & keepv[i]
        return keepv & (~sup)

    keepv = jax.lax.fori_loop(0, MAX_DET, body, valid)
    final_scores = jnp.where(keepv, topv, 0.0)
    det = jnp.concatenate(
        [tb, final_scores[:, None], keepv.astype(jnp.float32)[:, None]], axis=1
    )  # [K, 6] = ltrb, score, keep_flag
    return det, tc


def reference(prediction, frame_h, frame_w):
    return _postprocess(prediction, frame_h, frame_w)

if __name__ == "__main__":
    import jax
    _d = setup_inputs()
    print(jax.jit(kernel)(*tuple(_d.values())))

</pallas_src>

<mosaic_0001>
#map = affine_map<(d0, d1) -> (0)>
module attributes {stable_mosaic.version = 14 : i64} {
  func.func @body(%arg0: i32, %arg1: i32, %arg2: memref<1920000xf32, #tpu.memory_space<hbm>>, %arg3: memref<160000xf32, #tpu.memory_space<hbm>>, %arg4: memref<62976xf32, #tpu.memory_space<vmem>>, %arg5: memref<656xf32, #tpu.memory_space<vmem>>, %arg6: memref<656xi32, #tpu.memory_space<vmem>>, %arg7: memref<5248xf32, #tpu.memory_space<vmem>>) attributes {dimension_semantics = [#tpu.dimension_semantics<core_parallel>, #tpu.dimension_semantics<subcore_parallel>], iteration_bounds = array<i64: 2, 16>, scalar_prefetch = 0 : i64, scratch_operands = 4 : i64, tpu.core_type = #tpu.core_type<sc_vector_subcore>, window_params = [{transform_indices = #map}, {transform_indices = #map}]} {
    %mul3A = arith.constant 2 : i32
    %mul3A_0 = arith.muli %arg1, %mul3A : i32
    %add3A = arith.addi %mul3A_0, %arg0 : i32
    %mul3A_1 = arith.constant 624 : i32
    %mul3A_2 = arith.muli %add3A, %mul3A_1 : i32
    %mul3A_3 = arith.constant 96 : i32
    %mul3A_4 = arith.muli %mul3A_2, %mul3A_3 : i32
    "tpu.region"() ({
      %run_scoped3A = tpu.sem_alloc : memref<!tpu.dma_semaphore, #tpu.memory_space<semaphore_mem>>
      %dma_start3A = tpu.memref_slice %arg2[%mul3A_4] : memref<1920000xf32, #tpu.memory_space<hbm>> -> memref<62976xf32, #tpu.memory_space<hbm>>
      %dma_start3A_12 = tpu.memref_slice %arg2[%mul3A_4] : memref<1920000xf32, #tpu.memory_space<hbm>> -> memref<62976xf32, #tpu.memory_space<hbm>>
      tpu.enqueue_dma source(%dma_start3A_12 : memref<62976xf32, #tpu.memory_space<hbm>>) target(%arg4 : memref<62976xf32, #tpu.memory_space<vmem>>) target_semaphore(%run_scoped3A : memref<!tpu.dma_semaphore, #tpu.memory_space<semaphore_mem>>)
      %dma_wait3A = tpu.memref_slice %arg2[%mul3A_4] : memref<1920000xf32, #tpu.memory_space<hbm>> -> memref<62976xf32, #tpu.memory_space<hbm>>
      %dma_wait3A_13 = tpu.memref_slice %arg2[%mul3A_4] : memref<1920000xf32, #tpu.memory_space<hbm>> -> memref<62976xf32, #tpu.memory_space<hbm>>
      tpu.wait_dma2 semaphore(%run_scoped3A : memref<!tpu.dma_semaphore, #tpu.memory_space<semaphore_mem>>) src(%dma_wait3A_13 : memref<62976xf32, #tpu.memory_space<hbm>>) dst(%arg4 : memref<62976xf32, #tpu.memory_space<vmem>>)
      tpu.yield
    }) : () -> ()
    %iota3A = tpu.iota {dimensions = array<i32: 0>} : vector<16xi32>
    %parallel_loop3A = arith.constant 0 : i32
    %parallel_loop3A_5 = arith.constant 656 : i32
    %parallel_loop3A_6 = arith.constant 1 : i32
    scf.for %parallel_loop3A_12 = %parallel_loop3A to %parallel_loop3A_5 step %parallel_loop3A_6  : i32 {
      %parallel_loop3A_13 = arith.constant 96 : i32
      %parallel_loop3A_14 = arith.muli %parallel_loop3A_12, %parallel_loop3A_13 : i32
      %parallel_loop3A_15 = arith.constant 16 : i32
      %parallel_loop3A_16 = arith.addi %parallel_loop3A_14, %parallel_loop3A_15 : i32
      %parallel_loop3A_17 = arith.constant 0 : i32
      %parallel_loop3A_18 = arith.addi %parallel_loop3A_16, %parallel_loop3A_17 : i32
      %parallel_loop3A_19 = arith.index_cast %parallel_loop3A_18 : i32 to index
      %parallel_loop3A_20 = tpu.vector_load %arg4[%parallel_loop3A_19] {strides = array<i32>} : memref<62976xf32, #tpu.memory_space<vmem>>, vector<16xf32>,
      %parallel_loop3A_21 = arith.constant 16 : i32
      %parallel_loop3A_22 = arith.addi %parallel_loop3A_14, %parallel_loop3A_21 : i32
      %parallel_loop3A_23 = arith.constant 16 : i32
      %parallel_loop3A_24 = arith.addi %parallel_loop3A_22, %parallel_loop3A_23 : i32
      %parallel_loop3A_25 = arith.index_cast %parallel_loop3A_24 : i32 to index
      %parallel_loop3A_26 = tpu.vector_load %arg4[%parallel_loop3A_25] {strides = array<i32>} : memref<62976xf32, #tpu.memory_space<vmem>>, vector<16xf32>,
      %parallel_loop3A_27 = arith.constant 16 : i32
      %parallel_loop3A_28 = arith.addi %parallel_loop3A_14, %parallel_loop3A_27 : i32
      %parallel_loop3A_29 = arith.constant 32 : i32
      %parallel_loop3A_30 = arith.addi %parallel_loop3A_28, %parallel_loop3A_29 : i32
      %parallel_loop3A_31 = arith.index_cast %parallel_loop3A_30 : i32 to index
      %parallel_loop3A_32 = tpu.vector_load %arg4[%parallel_loop3A_31] {strides = array<i32>} : memref<62976xf32, #tpu.memory_space<vmem>>, vector<16xf32>,
      %parallel_loop3A_33 = arith.constant 16 : i32
      %parallel_loop3A_34 = arith.addi %parallel_loop3A_14, %parallel_loop3A_33 : i32
      %parallel_loop3A_35 = arith.constant 48 : i32
      %parallel_loop3A_36 = arith.addi %parallel_loop3A_34, %parallel_loop3A_35 : i32
      %parallel_loop3A_37 = arith.index_cast %parallel_loop3A_36 : i32 to index
      %parallel_loop3A_38 = tpu.vector_load %arg4[%parallel_loop3A_37] {strides = array<i32>} : memref<62976xf32, #tpu.memory_space<vmem>>, vector<16xf32>,
      %parallel_loop3A_39 = arith.constant 16 : i32
      %parallel_loop3A_40 = arith.addi %parallel_loop3A_14, %parallel_loop3A_39 : i32
      %parallel_loop3A_41 = arith.constant 64 : i32
      %parallel_loop3A_42 = arith.addi %parallel_loop3A_40, %parallel_loop3A_41 : i32
      %parallel_loop3A_43 = arith.index_cast %parallel_loop3A_42 : i32 to index
      %parallel_loop3A_44 = tpu.vector_load %arg4[%parallel_loop3A_43] {strides = array<i32>} : memref<62976xf32, #tpu.memory_space<vmem>>, vector<16xf32>,
      %parallel_loop3A_45 = arith.maximumf %parallel_loop3A_20, %parallel_loop3A_26 : vector<16xf32>
      %parallel_loop3A_46 = arith.maximumf %parallel_loop3A_45, %parallel_loop3A_32 : vector<16xf32>
      %parallel_loop3A_47 = arith.maximumf %parallel_loop3A_46, %parallel_loop3A_38 : vector<16xf32>
      %parallel_loop3A_48 = arith.maximumf %parallel_loop3A_47, %parallel_loop3A_44 : vector<16xf32>
      %parallel_loop3A_49 = arith.constant true
      %parallel_loop3A_50 = vector.broadcast %parallel_loop3A_49 : i1 to vector<16xi1>
      %parallel_loop3A_51 = tpu.scan <max>, %parallel_loop3A_48 masked %parallel_loop3A_50 : vector<16xf32>, vector<16xi1> -> vector<16xf32>
      %parallel_loop3A_52 = vector.extract %parallel_loop3A_51[15] : f32 from vector<16xf32>
      %parallel_loop3A_53 = vector.broadcast %parallel_loop3A_52 : f32 to vector<16xf32>
      %parallel_loop3A_54 = arith.cmpf oeq, %parallel_loop3A_20, %parallel_loop3A_53 : vector<16xf32>
      %parallel_loop3A_55 = arith.constant 0 : i32
      %parallel_loop3A_56 = vector.broadcast %parallel_loop3A_55 : i32 to vector<16xi32>
      %parallel_loop3A_57 = arith.addi %parallel_loop3A_56, %iota3A : vector<16xi32>
      %parallel_loop3A_58 = arith.constant 4096 : i32
      %parallel_loop3A_59 = vector.broadcast %parallel_loop3A_58 : i32 to vector<16xi32>
      %parallel_loop3A_60 = arith.select %parallel_loop3A_54, %parallel_loop3A_57, %parallel_loop3A_59 : vector<16xi1>, vector<16xi32>
      %parallel_loop3A_61 = vector.broadcast %parallel_loop3A_52 : f32 to vector<16xf32>
      %parallel_loop3A_62 = arith.cmpf oeq, %parallel_loop3A_26, %parallel_loop3A_61 : vector<16xf32>
      %parallel_loop3A_63 = arith.constant 16 : i32
      %parallel_loop3A_64 = vector.broadcast %parallel_loop3A_63 : i32 to vector<16xi32>
      %parallel_loop3A_65 = arith.addi %parallel_loop3A_64, %iota3A : vector<16xi32>
      %parallel_loop3A_66 = arith.constant 4096 : i32
      %parallel_loop3A_67 = vector.broadcast %parallel_loop3A_66 : i32 to vector<16xi32>
      %parallel_loop3A_68 = arith.select %parallel_loop3A_62, %parallel_loop3A_65, %parallel_loop3A_67 : vector<16xi1>, vector<16xi32>
      %parallel_loop3A_69 = vector.broadcast %parallel_loop3A_52 : f32 to vector<16xf32>
      %parallel_loop3A_70 = arith.cmpf oeq, %parallel_loop3A_32, %parallel_loop3A_69 : vector<16xf32>
      %parallel_loop3A_71 = arith.constant 32 : i32
      %parallel_loop3A_72 = vector.broadcast %parallel_loop3A_71 : i32 to vector<16xi32>
      %parallel_loop3A_73 = arith.addi %parallel_loop3A_72, %iota3A : vector<16xi32>
      %parallel_loop3A_74 = arith.constant 4096 : i32
      %parallel_loop3A_75 = vector.broadcast %parallel_loop3A_74 : i32 to vector<16xi32>
      %parallel_loop3A_76 = arith.select %parallel_loop3A_70, %parallel_loop3A_73, %parallel_loop3A_75 : vector<16xi1>, vector<16xi32>
      %parallel_loop3A_77 = vector.broadcast %parallel_loop3A_52 : f32 to vector<16xf32>
      %parallel_loop3A_78 = arith.cmpf oeq, %parallel_loop3A_38, %parallel_loop3A_77 : vector<16xf32>
      %parallel_loop3A_79 = arith.constant 48 : i32
      %parallel_loop3A_80 = vector.broadcast %parallel_loop3A_79 : i32 to vector<16xi32>
      %parallel_loop3A_81 = arith.addi %parallel_loop3A_80, %iota3A : vector<16xi32>
      %parallel_loop3A_82 = arith.constant 4096 : i32
      %parallel_loop3A_83 = vector.broadcast %parallel_loop3A_82 : i32 to vector<16xi32>
      %parallel_loop3A_84 = arith.select %parallel_loop3A_78, %parallel_loop3A_81, %parallel_loop3A_83 : vector<16xi1>, vector<16xi32>
      %parallel_loop3A_85 = vector.broadcast %parallel_loop3A_52 : f32 to vector<16xf32>
      %parallel_loop3A_86 = arith.cmpf oeq, %parallel_loop3A_44, %parallel_loop3A_85 : vector<16xf32>
      %parallel_loop3A_87 = arith.constant 64 : i32
      %parallel_loop3A_88 = vector.broadcast %parallel_loop3A_87 : i32 to vector<16xi32>
      %parallel_loop3A_89 = arith.addi %parallel_loop3A_88, %iota3A : vector<16xi32>
      %parallel_loop3A_90 = arith.constant 4096 : i32
      %parallel_loop3A_91 = vector.broadcast %parallel_loop3A_90 : i32 to vector<16xi32>
      %parallel_loop3A_92 = arith.select %parallel_loop3A_86, %parallel_loop3A_89, %parallel_loop3A_91 : vector<16xi1>, vector<16xi32>
      %parallel_loop3A_93 = arith.minsi %parallel_loop3A_60, %parallel_loop3A_68 : vector<16xi32>
      %parallel_loop3A_94 = arith.minsi %parallel_loop3A_93, %parallel_loop3A_76 : vector<16xi32>
      %parallel_loop3A_95 = arith.minsi %parallel_loop3A_94, %parallel_loop3A_84 : vector<16xi32>
      %parallel_loop3A_96 = arith.minsi %parallel_loop3A_95, %parallel_loop3A_92 : vector<16xi32>
      %parallel_loop3A_97 = vector.broadcast %parallel_loop3A_12 : i32 to vector<16xi32>
      %parallel_loop3A_98 = arith.constant 0 : i32
      %parallel_loop3A_99 = vector.broadcast %parallel_loop3A_98 : i32 to vector<16xi32>
      %parallel_loop3A_100 = arith.cmpi eq, %iota3A, %parallel_loop3A_99 : vector<16xi32>
      %parallel_loop3A_101 = vector.broadcast %parallel_loop3A_52 : f32 to vector<16xf32>
      tpu.vector_store_idx %arg5[%parallel_loop3A_97], %parallel_loop3A_101 masked %parallel_loop3A_100 : memref<656xf32, #tpu.memory_space<vmem>>[vector<16xi32>], vector<16xf32>, vector<16xi1>
      %parallel_loop3A_102 = arith.constant true
      %parallel_loop3A_103 = vector.broadcast %parallel_loop3A_102 : i1 to vector<16xi1>
      %parallel_loop3A_104 = arith.constant -2147483648 : i32
      %parallel_loop3A_105 = vector.broadcast %parallel_loop3A_104 : i32 to vector<16xi32>
      %parallel_loop3A_106 = arith.xori %parallel_loop3A_96, %parallel_loop3A_105 : vector<16xi32>
      %parallel_loop3A_107 = tpu.scan <min>, %parallel_loop3A_106 masked %parallel_loop3A_103 : vector<16xi32>, vector<16xi1> -> vector<16xi32>
      %parallel_loop3A_108 = arith.xori %parallel_loop3A_107, %parallel_loop3A_105 : vector<16xi32>
      %parallel_loop3A_109 = vector.extract %parallel_loop3A_108[15] : i32 from vector<16xi32>
      %parallel_loop3A_110 = vector.broadcast %parallel_loop3A_109 : i32 to vector<16xi32>
      tpu.vector_store_idx %arg6[%parallel_loop3A_97], %parallel_loop3A_110 masked %parallel_loop3A_100 : memref<656xi32, #tpu.memory_space<vmem>>[vector<16xi32>], vector<16xi32>, vector<16xi1>
    } {sc.loop_unroll_factor = 2 : i64, sc.parallel_access}
    %parallel_loop3A_7 = arith.constant 0 : i32
    %parallel_loop3A_8 = arith.constant 41 : i32
    %parallel_loop3A_9 = arith.constant 1 : i32
    scf.for %parallel_loop3A_12 = %parallel_loop3A_7 to %parallel_loop3A_8 step %parallel_loop3A_9  : i32 {
      %parallel_loop3A_13 = arith.constant 16 : i32
      %parallel_loop3A_14 = arith.muli %parallel_loop3A_12, %parallel_loop3A_13 : i32
      %parallel_loop3A_15 = vector.broadcast %parallel_loop3A_14 : i32 to vector<16xi32>
      %parallel_loop3A_16 = arith.addi %parallel_loop3A_15, %iota3A : vector<16xi32>
      %parallel_loop3A_17 = arith.constant 96 : i32
      %parallel_loop3A_18 = vector.broadcast %parallel_loop3A_17 : i32 to vector<16xi32>
      %parallel_loop3A_19 = arith.muli %parallel_loop3A_16, %parallel_loop3A_18 : vector<16xi32>
      %parallel_loop3A_20 = arith.constant 0 : i32
      %parallel_loop3A_21 = vector.broadcast %parallel_loop3A_20 : i32 to vector<16xi32>
      %parallel_loop3A_22 = arith.addi %parallel_loop3A_19, %parallel_loop3A_21 : vector<16xi32>
      %parallel_loop3A_23 = tpu.vector_load_idx %arg4[%parallel_loop3A_22] : memref<62976xf32, #tpu.memory_space<vmem>>[vector<16xi32>], vector<16xf32>,
      %parallel_loop3A_24 = arith.constant 1 : i32
      %parallel_loop3A_25 = vector.broadcast %parallel_loop3A_24 : i32 to vector<16xi32>
      %parallel_loop3A_26 = arith.addi %parallel_loop3A_19, %parallel_loop3A_25 : vector<16xi32>
      %parallel_loop3A_27 = tpu.vector_load_idx %arg4[%parallel_loop3A_26] : memref<62976xf32, #tpu.memory_space<vmem>>[vector<16xi32>], vector<16xf32>,
      %parallel_loop3A_28 = arith.constant 2 : i32
      %parallel_loop3A_29 = vector.broadcast %parallel_loop3A_28 : i32 to vector<16xi32>
      %parallel_loop3A_30 = arith.addi %parallel_loop3A_19, %parallel_loop3A_29 : vector<16xi32>
      %parallel_loop3A_31 = tpu.vector_load_idx %arg4[%parallel_loop3A_30] : memref<62976xf32, #tpu.memory_space<vmem>>[vector<16xi32>], vector<16xf32>,
      %parallel_loop3A_32 = arith.constant 3 : i32
      %parallel_loop3A_33 = vector.broadcast %parallel_loop3A_32 : i32 to vector<16xi32>
      %parallel_loop3A_34 = arith.addi %parallel_loop3A_19, %parallel_loop3A_33 : vector<16xi32>
      %parallel_loop3A_35 = tpu.vector_load_idx %arg4[%parallel_loop3A_34] : memref<62976xf32, #tpu.memory_space<vmem>>[vector<16xi32>], vector<16xf32>,
      %parallel_loop3A_36 = arith.constant 4 : i32
      %parallel_loop3A_37 = vector.broadcast %parallel_loop3A_36 : i32 to vector<16xi32>
      %parallel_loop3A_38 = arith.addi %parallel_loop3A_19, %parallel_loop3A_37 : vector<16xi32>
      %parallel_loop3A_39 = tpu.vector_load_idx %arg4[%parallel_loop3A_38] : memref<62976xf32, #tpu.memory_space<vmem>>[vector<16xi32>], vector<16xf32>,
      %parallel_loop3A_40 = arith.constant 16 : i32
      %parallel_loop3A_41 = arith.muli %parallel_loop3A_12, %parallel_loop3A_40 : i32
      %parallel_loop3A_42 = arith.index_cast %parallel_loop3A_41 : i32 to index
      %parallel_loop3A_43 = tpu.vector_load %arg5[%parallel_loop3A_42] {strides = array<i32>} : memref<656xf32, #tpu.memory_space<vmem>>, vector<16xf32>,
      %parallel_loop3A_44 = arith.constant 16 : i32
      %parallel_loop3A_45 = arith.muli %parallel_loop3A_12, %parallel_loop3A_44 : i32
      %parallel_loop3A_46 = arith.index_cast %parallel_loop3A_45 : i32 to index
      %parallel_loop3A_47 = tpu.vector_load %arg6[%parallel_loop3A_46] {strides = array<i32>} : memref<656xi32, #tpu.memory_space<vmem>>, vector<16xi32>,
      %parallel_loop3A_48 = arith.mulf %parallel_loop3A_39, %parallel_loop3A_43 : vector<16xf32>
      %parallel_loop3A_49 = arith.constant 3 : i32
      %parallel_loop3A_50 = vector.broadcast %parallel_loop3A_49 : i32 to vector<16xi32>
      %parallel_loop3A_51 = arith.cmpi sle, %parallel_loop3A_47, %parallel_loop3A_50 : vector<16xi32>
      %parallel_loop3A_52 = arith.constant 5 : i32
      %parallel_loop3A_53 = vector.broadcast %parallel_loop3A_52 : i32 to vector<16xi32>
      %parallel_loop3A_54 = arith.cmpi eq, %parallel_loop3A_47, %parallel_loop3A_53 : vector<16xi32>
      %parallel_loop3A_55 = arith.ori %parallel_loop3A_51, %parallel_loop3A_54 : vector<16xi1>
      %parallel_loop3A_56 = arith.constant 7 : i32
      %parallel_loop3A_57 = vector.broadcast %parallel_loop3A_56 : i32 to vector<16xi32>
      %parallel_loop3A_58 = arith.cmpi eq, %parallel_loop3A_47, %parallel_loop3A_57 : vector<16xi32>
      %parallel_loop3A_59 = arith.ori %parallel_loop3A_55, %parallel_loop3A_58 : vector<16xi1>
      %parallel_loop3A_60 = arith.constant 2.500000e-01 : f32
      %parallel_loop3A_61 = vector.broadcast %parallel_loop3A_60 : f32 to vector<16xf32>
      %parallel_loop3A_62 = arith.cmpf oge, %parallel_loop3A_48, %parallel_loop3A_61 : vector<16xf32>
      %parallel_loop3A_63 = arith.andi %parallel_loop3A_62, %parallel_loop3A_59 : vector<16xi1>
      %parallel_loop3A_64 = arith.constant -1.000000e+00 : f32
      %parallel_loop3A_65 = vector.broadcast %parallel_loop3A_64 : f32 to vector<16xf32>
      %parallel_loop3A_66 = arith.select %parallel_loop3A_63, %parallel_loop3A_48, %parallel_loop3A_65 : vector<16xi1>, vector<16xf32>
      %parallel_loop3A_67 = arith.constant 5.000000e-01 : f32
      %parallel_loop3A_68 = vector.broadcast %parallel_loop3A_67 : f32 to vector<16xf32>
      %parallel_loop3A_69 = arith.mulf %parallel_loop3A_31, %parallel_loop3A_68 : vector<16xf32>
      %parallel_loop3A_70 = arith.subf %parallel_loop3A_23, %parallel_loop3A_69 : vector<16xf32>
      %parallel_loop3A_71 = arith.constant 0.000000e+00 : f32
      %parallel_loop3A_72 = vector.broadcast %parallel_loop3A_71 : f32 to vector<16xf32>
      %parallel_loop3A_73 = arith.subf %parallel_loop3A_70, %parallel_loop3A_72 : vector<16xf32>
      %parallel_loop3A_74 = arith.constant 0.333333343 : f32
      %parallel_loop3A_75 = vector.broadcast %parallel_loop3A_74 : f32 to vector<16xf32>
      %parallel_loop3A_76 = arith.divf %parallel_loop3A_73, %parallel_loop3A_75 : vector<16xf32>
      %parallel_loop3A_77 = arith.constant 5.000000e-01 : f32
      %parallel_loop3A_78 = vector.broadcast %parallel_loop3A_77 : f32 to vector<16xf32>
      %parallel_loop3A_79 = arith.mulf %parallel_loop3A_35, %parallel_loop3A_78 : vector<16xf32>
      %parallel_loop3A_80 = arith.subf %parallel_loop3A_27, %parallel_loop3A_79 : vector<16xf32>
      %parallel_loop3A_81 = arith.constant 1.400000e+02 : f32
      %parallel_loop3A_82 = vector.broadcast %parallel_loop3A_81 : f32 to vector<16xf32>
      %parallel_loop3A_83 = arith.subf %parallel_loop3A_80, %parallel_loop3A_82 : vector<16xf32>
      %parallel_loop3A_84 = arith.constant 0.333333343 : f32
      %parallel_loop3A_85 = vector.broadcast %parallel_loop3A_84 : f32 to vector<16xf32>
      %parallel_loop3A_86 = arith.divf %parallel_loop3A_83, %parallel_loop3A_85 : vector<16xf32>
      %parallel_loop3A_87 = arith.constant 5.000000e-01 : f32
      %parallel_loop3A_88 = vector.broadcast %parallel_loop3A_87 : f32 to vector<16xf32>
      %parallel_loop3A_89 = arith.mulf %parallel_loop3A_31, %parallel_loop3A_88 : vector<16xf32>
      %parallel_loop3A_90 = arith.addf %parallel_loop3A_23, %parallel_loop3A_89 : vector<16xf32>
      %parallel_loop3A_91 = arith.constant 0.000000e+00 : f32
      %parallel_loop3A_92 = vector.broadcast %parallel_loop3A_91 : f32 to vector<16xf32>
      %parallel_loop3A_93 = arith.subf %parallel_loop3A_90, %parallel_loop3A_92 : vector<16xf32>
      %parallel_loop3A_94 = arith.constant 0.333333343 : f32
      %parallel_loop3A_95 = vector.broadcast %parallel_loop3A_94 : f32 to vector<16xf32>
      %parallel_loop3A_96 = arith.divf %parallel_loop3A_93, %parallel_loop3A_95 : vector<16xf32>
      %parallel_loop3A_97 = arith.constant 5.000000e-01 : f32
      %parallel_loop3A_98 = vector.broadcast %parallel_loop3A_97 : f32 to vector<16xf32>
      %parallel_loop3A_99 = arith.mulf %parallel_loop3A_35, %parallel_loop3A_98 : vector<16xf32>
      %parallel_loop3A_100 = arith.addf %parallel_loop3A_27, %parallel_loop3A_99 : vector<16xf32>
      %parallel_loop3A_101 = arith.constant 1.400000e+02 : f32
      %parallel_loop3A_102 = vector.broadcast %parallel_loop3A_101 : f32 to vector<16xf32>
      %parallel_loop3A_103 = arith.subf %parallel_loop3A_100, %parallel_loop3A_102 : vector<16xf32>
      %parallel_loop3A_104 = arith.constant 0.333333343 : f32
      %parallel_loop3A_105 = vector.broadcast %parallel_loop3A_104 : f32 to vector<16xf32>
      %parallel_loop3A_106 = arith.divf %parallel_loop3A_103, %parallel_loop3A_105 : vector<16xf32>
      %parallel_loop3A_107 = arith.constant 8 : i32
      %parallel_loop3A_108 = vector.broadcast %parallel_loop3A_107 : i32 to vector<16xi32>
      %parallel_loop3A_109 = arith.muli %parallel_loop3A_16, %parallel_loop3A_108 : vector<16xi32>
      %parallel_loop3A_110 = arith.sitofp %parallel_loop3A_47 : vector<16xi32> to vector<16xf32>
      %parallel_loop3A_111 = arith.constant 0x4B400000 : f32
      %parallel_loop3A_112 = vector.broadcast %parallel_loop3A_111 : f32 to vector<16xf32>
      %parallel_loop3A_113 = arith.addf %parallel_loop3A_76, %parallel_loop3A_112 : vector<16xf32>
      %parallel_loop3A_114 = arith.constant 0x4B400000 : f32
      %parallel_loop3A_115 = vector.broadcast %parallel_loop3A_114 : f32 to vector<16xf32>
      %parallel_loop3A_116 = arith.subf %parallel_loop3A_113, %parallel_loop3A_115 : vector<16xf32>
      %parallel_loop3A_117 = arith.constant 0x4B400000 : f32
      %parallel_loop3A_118 = vector.broadcast %parallel_loop3A_117 : f32 to vector<16xf32>
      %parallel_loop3A_119 = arith.addf %parallel_loop3A_86, %parallel_loop3A_118 : vector<16xf32>
      %parallel_loop3A_120 = arith.constant 0x4B400000 : f32
      %parallel_loop3A_121 = vector.broadcast %parallel_loop3A_120 : f32 to vector<16xf32>
      %parallel_loop3A_122 = arith.subf %parallel_loop3A_119, %parallel_loop3A_121 : vector<16xf32>
      %parallel_loop3A_123 = arith.constant 0x4B400000 : f32
      %parallel_loop3A_124 = vector.broadcast %parallel_loop3A_123 : f32 to vector<16xf32>
      %parallel_loop3A_125 = arith.addf %parallel_loop3A_96, %parallel_loop3A_124 : vector<16xf32>
      %parallel_loop3A_126 = arith.constant 0x4B400000 : f32
      %parallel_loop3A_127 = vector.broadcast %parallel_loop3A_126 : f32 to vector<16xf32>
      %parallel_loop3A_128 = arith.subf %parallel_loop3A_125, %parallel_loop3A_127 : vector<16xf32>
      %parallel_loop3A_129 = arith.constant 0x4B400000 : f32
      %parallel_loop3A_130 = vector.broadcast %parallel_loop3A_129 : f32 to vector<16xf32>
      %parallel_loop3A_131 = arith.addf %parallel_loop3A_106, %parallel_loop3A_130 : vector<16xf32>
      %parallel_loop3A_132 = arith.constant 0x4B400000 : f32
      %parallel_loop3A_133 = vector.broadcast %parallel_loop3A_132 : f32 to vector<16xf32>
      %parallel_loop3A_134 = arith.subf %parallel_loop3A_131, %parallel_loop3A_133 : vector<16xf32>
      %parallel_loop3A_135 = arith.constant 0 : i32
      %parallel_loop3A_136 = vector.broadcast %parallel_loop3A_135 : i32 to vector<16xi32>
      %parallel_loop3A_137 = arith.addi %parallel_loop3A_109, %parallel_loop3A_136 : vector<16xi32>
      tpu.vector_store_idx %arg7[%parallel_loop3A_137], %parallel_loop3A_66 : memref<5248xf32, #tpu.memory_space<vmem>>[vector<16xi32>], vector<16xf32>,
      %parallel_loop3A_138 = arith.constant 1 : i32
      %parallel_loop3A_139 = vector.broadcast %parallel_loop3A_138 : i32 to vector<16xi32>
      %parallel_loop3A_140 = arith.addi %parallel_loop3A_109, %parallel_loop3A_139 : vector<16xi32>
      tpu.vector_store_idx %arg7[%parallel_loop3A_140], %parallel_loop3A_110 : memref<5248xf32, #tpu.memory_space<vmem>>[vector<16xi32>], vector<16xf32>,
      %parallel_loop3A_141 = arith.constant 2 : i32
      %parallel_loop3A_142 = vector.broadcast %parallel_loop3A_141 : i32 to vector<16xi32>
      %parallel_loop3A_143 = arith.addi %parallel_loop3A_109, %parallel_loop3A_142 : vector<16xi32>
      tpu.vector_store_idx %arg7[%parallel_loop3A_143], %parallel_loop3A_116 : memref<5248xf32, #tpu.memory_space<vmem>>[vector<16xi32>], vector<16xf32>,
      %parallel_loop3A_144 = arith.constant 3 : i32
      %parallel_loop3A_145 = vector.broadcast %parallel_loop3A_144 : i32 to vector<16xi32>
      %parallel_loop3A_146 = arith.addi %parallel_loop3A_109, %parallel_loop3A_145 : vector<16xi32>
      tpu.vector_store_idx %arg7[%parallel_loop3A_146], %parallel_loop3A_122 : memref<5248xf32, #tpu.memory_space<vmem>>[vector<16xi32>], vector<16xf32>,
      %parallel_loop3A_147 = arith.constant 4 : i32
      %parallel_loop3A_148 = vector.broadcast %parallel_loop3A_147 : i32 to vector<16xi32>
      %parallel_loop3A_149 = arith.addi %parallel_loop3A_109, %parallel_loop3A_148 : vector<16xi32>
      tpu.vector_store_idx %arg7[%parallel_loop3A_149], %parallel_loop3A_128 : memref<5248xf32, #tpu.memory_space<vmem>>[vector<16xi32>], vector<16xf32>,
      %parallel_loop3A_150 = arith.constant 5 : i32
      %parallel_loop3A_151 = vector.broadcast %parallel_loop3A_150 : i32 to vector<16xi32>
      %parallel_loop3A_152 = arith.addi %parallel_loop3A_109, %parallel_loop3A_151 : vector<16xi32>
      tpu.vector_store_idx %arg7[%parallel_loop3A_152], %parallel_loop3A_134 : memref<5248xf32, #tpu.memory_space<vmem>>[vector<16xi32>], vector<16xf32>,
    } {sc.loop_unroll_factor = 2 : i64, sc.parallel_access}
    %mul3A_10 = arith.constant 8 : i32
    %mul3A_11 = arith.muli %mul3A_2, %mul3A_10 : i32
    "tpu.region"() ({
      %run_scoped3A = tpu.sem_alloc : memref<!tpu.dma_semaphore, #tpu.memory_space<semaphore_mem>>
      %dma_start3A = tpu.memref_slice %arg3[%mul3A_11] : memref<160000xf32, #tpu.memory_space<hbm>> -> memref<5248xf32, #tpu.memory_space<hbm>>
      %dma_start3A_12 = tpu.memref_slice %arg3[%mul3A_11] : memref<160000xf32, #tpu.memory_space<hbm>> -> memref<5248xf32, #tpu.memory_space<hbm>>
      tpu.enqueue_dma source(%arg7 : memref<5248xf32, #tpu.memory_space<vmem>>) target(%dma_start3A_12 : memref<5248xf32, #tpu.memory_space<hbm>>) target_semaphore(%run_scoped3A : memref<!tpu.dma_semaphore, #tpu.memory_space<semaphore_mem>>)
      %dma_wait3A = tpu.memref_slice %arg3[%mul3A_11] : memref<160000xf32, #tpu.memory_space<hbm>> -> memref<5248xf32, #tpu.memory_space<hbm>>
      %dma_wait3A_13 = tpu.memref_slice %arg3[%mul3A_11] : memref<160000xf32, #tpu.memory_space<hbm>> -> memref<5248xf32, #tpu.memory_space<hbm>>
      tpu.wait_dma2 semaphore(%run_scoped3A : memref<!tpu.dma_semaphore, #tpu.memory_space<semaphore_mem>>) src(%arg7 : memref<5248xf32, #tpu.memory_space<vmem>>) dst(%dma_wait3A_13 : memref<5248xf32, #tpu.memory_space<hbm>>)
      tpu.yield
    }) : () -> ()
    return
  }
}

module attributes {stable_mosaic.version = 14 : i64} {
  func.func @_nms_body(%arg0: i32, %arg1: memref<1024x4xf32, #tpu.memory_space<vmem>>, %arg2: memref<1024x1xf32, #tpu.memory_space<vmem>>, %arg3: memref<4x1024xf32, #tpu.memory_space<vmem>>, %arg4: memref<1x1024xf32, #tpu.memory_space<vmem>>, %arg5: memref<1x1024xf32, #tpu.memory_space<vmem>>, %arg6: memref<1x1024xf32, #tpu.memory_space<vmem>>, %arg7: memref<1x1024xf32, #tpu.memory_space<vmem>>, %arg8: memref<1024x1024xf32, #tpu.memory_space<vmem>>) attributes {dimension_semantics = [#tpu.dimension_semantics<arbitrary>], iteration_bounds = array<i64: 9>, scalar_prefetch = 0 : i64, scratch_operands = 1 : i64, tpu.core_type = #tpu.core_type<tc>, window_params = [{pipeline_mode = #tpu.pipeline_mode<synchronous>, transform_indices = @transform_0, window_bounds = array<i64: 1024, 4>}, {pipeline_mode = #tpu.pipeline_mode<synchronous>, transform_indices = @transform_1, window_bounds = array<i64: 1024, 1>}, {pipeline_mode = #tpu.pipeline_mode<synchronous>, transform_indices = @transform_2, window_bounds = array<i64: 4, 1024>}, {pipeline_mode = #tpu.pipeline_mode<synchronous>, transform_indices = @transform_3, window_bounds = array<i64: 1, 1024>}, {pipeline_mode = #tpu.pipeline_mode<synchronous>, transform_indices = @transform_4, window_bounds = array<i64: 1, 1024>}, {pipeline_mode = #tpu.pipeline_mode<synchronous>, transform_indices = @transform_5, window_bounds = array<i64: 1, 1024>}, {pipeline_mode = #tpu.pipeline_mode<synchronous>, transform_indices = @transform_6, window_bounds = array<i64: 1, 1024>}]} {
    %lt3A = arith.constant 8 : i32
    %lt3A_0 = arith.cmpi slt, %arg0, %lt3A : i32
    %convert_element_type3A = arith.extui %lt3A_0 : i1 to i32
    %cond3A = arith.constant 0 : i32
    %cond3A_1 = arith.cmpi ne, %convert_element_type3A, %cond3A : i32
    scf.if %cond3A_1 {
      %mul3A = arith.constant 128 : i32
      %mul3A_6 = arith.muli %arg0, %mul3A : i32
      %get3A = arith.index_cast %mul3A_6 : i32 to index
      %get3A_7 = arith.constant 0 : index
      %get3A_8 = vector.load %arg2[%get3A, %get3A_7] : memref<1024x1xf32, #tpu.memory_space<vmem>>, vector<128x1xf32>
      %mul3A_9 = arith.constant 1.000000e+04 : f32
      %mul3A_10 = vector.broadcast %mul3A_9 : f32 to vector<128x1xf32>
      %mul3A_11 = arith.mulf %get3A_8, %mul3A_10 : vector<128x1xf32>
      %get3A_12 = arith.index_cast %mul3A_6 : i32 to index
      %get3A_13 = arith.constant 0 : index
      %get3A_14 = vector.load %arg1[%get3A_12, %get3A_13] : memref<1024x4xf32, #tpu.memory_space<vmem>>, vector<128x1xf32>
      %add3A = arith.addf %get3A_14, %mul3A_11 : vector<128x1xf32>
      %get3A_15 = arith.index_cast %mul3A_6 : i32 to index
      %get3A_16 = arith.constant 1 : index
      %get3A_17 = vector.load %arg1[%get3A_15, %get3A_16] : memref<1024x4xf32, #tpu.memory_space<vmem>>, vector<128x1xf32>
      %add3A_18 = arith.addf %get3A_17, %mul3A_11 : vector<128x1xf32>
      %get3A_19 = arith.index_cast %mul3A_6 : i32 to index
      %get3A_20 = arith.constant 2 : index
      %get3A_21 = vector.load %arg1[%get3A_19, %get3A_20] : memref<1024x4xf32, #tpu.memory_space<vmem>>, vector<128x1xf32>
      %add3A_22 = arith.addf %get3A_21, %mul3A_11 : vector<128x1xf32>
      %get3A_23 = arith.index_cast %mul3A_6 : i32 to index
      %get3A_24 = arith.constant 3 : index
      %get3A_25 = vector.load %arg1[%get3A_23, %get3A_24] : memref<1024x4xf32, #tpu.memory_space<vmem>>, vector<128x1xf32>
      %add3A_26 = arith.addf %get3A_25, %mul3A_11 : vector<128x1xf32>
      %sub3A = arith.subf %add3A_22, %add3A : vector<128x1xf32>
      %max3A = arith.constant 0.000000e+00 : f32
      %max3A_27 = vector.broadcast %max3A : f32 to vector<128x1xf32>
      %max3A_28 = arith.maximumf %sub3A, %max3A_27 : vector<128x1xf32>
      %sub3A_29 = arith.subf %add3A_26, %add3A_18 : vector<128x1xf32>
      %max3A_30 = arith.constant 0.000000e+00 : f32
      %max3A_31 = vector.broadcast %max3A_30 : f32 to vector<128x1xf32>
      %max3A_32 = arith.maximumf %sub3A_29, %max3A_31 : vector<128x1xf32>
      %mul3A_33 = arith.mulf %max3A_28, %max3A_32 : vector<128x1xf32>
      %get3A_34 = arith.constant 0 : index
      %get3A_35 = arith.constant 0 : index
      %get3A_36 = vector.load %arg4[%get3A_34, %get3A_35] : memref<1x1024xf32, #tpu.memory_space<vmem>>, vector<1x1024xf32>
      %mul3A_37 = arith.constant 1.000000e+04 : f32
      %mul3A_38 = vector.broadcast %mul3A_37 : f32 to vector<1x1024xf32>
      %mul3A_39 = arith.mulf %get3A_36, %mul3A_38 : vector<1x1024xf32>
      %get3A_40 = arith.constant 0 : index
      %get3A_41 = arith.constant 0 : index
      %get3A_42 = vector.load %arg3[%get3A_40, %get3A_41] : memref<4x1024xf32, #tpu.memory_space<vmem>>, vector<1x1024xf32>
      %add3A_43 = arith.addf %get3A_42, %mul3A_39 : vector<1x1024xf32>
      %get3A_44 = arith.constant 1 : index
      %get3A_45 = arith.constant 0 : index
      %get3A_46 = vector.load %arg3[%get3A_44, %get3A_45] : memref<4x1024xf32, #tpu.memory_space<vmem>>, vector<1x1024xf32>
      %add3A_47 = arith.addf %get3A_46, %mul3A_39 : vector<1x1024xf32>
      %get3A_48 = arith.constant 2 : index
      %get3A_49 = arith.constant 0 : index
      %get3A_50 = vector.load %arg3[%get3A_48, %get3A_49] : memref<4x1024xf32, #tpu.memory_space<vmem>>, vector<1x1024xf32>
      %add3A_51 = arith.addf %get3A_50, %mul3A_39 : vector<1x1024xf32>
      %get3A_52 = arith.constant 3 : index
      %get3A_53 = arith.constant 0 : index
      %get3A_54 = vector.load %arg3[%get3A_52, %get3A_53] : memref<4x1024xf32, #tpu.memory_space<vmem>>, vector<1x1024xf32>
      %add3A_55 = arith.addf %get3A_54, %mul3A_39 : vector<1x1024xf32>
      %sub3A_56 = arith.subf %add3A_51, %add3A_43 : vector<1x1024xf32>
      %max3A_57 = arith.constant 0.000000e+00 : f32
      %max3A_58 = vector.broadcast %max3A_57 : f32 to vector<1x1024xf32>
      %max3A_59 = arith.maximumf %sub3A_56, %max3A_58 : vector<1x1024xf32>
      %sub3A_60 = arith.subf %add3A_55, %add3A_47 : vector<1x1024xf32>
      %max3A_61 = arith.constant 0.000000e+00 : f32
      %max3A_62 = vector.broadcast %max3A_61 : f32 to vector<1x1024xf32>
      %max3A_63 = arith.maximumf %sub3A_60, %max3A_62 : vector<1x1024xf32>
      %mul3A_64 = arith.mulf %max3A_59, %max3A_63 : vector<1x1024xf32>
      %min3A = vector.broadcast %add3A_22 : vector<128x1xf32> to vector<128x1024xf32>
      %min3A_65 = vector.broadcast %add3A_51 : vector<1x1024xf32> to vector<128x1024xf32>
      %min3A_66 = arith.minimumf %min3A, %min3A_65 : vector<128x1024xf32>
      %max3A_67 = vector.broadcast %add3A : vector<128x1xf32> to vector<128x1024xf32>
      %max3A_68 = vector.broadcast %add3A_43 : vector<1x1024xf32> to vector<128x1024xf32>
      %max3A_69 = arith.maximumf %max3A_67, %max3A_68 : vector<128x1024xf32>
      %sub3A_70 = arith.subf %min3A_66, %max3A_69 : vector<128x1024xf32>
      %jit3A = arith.constant 0.000000e+00 : f32
      %max3A_71 = vector.broadcast %jit3A : f32 to vector<128x1024xf32>
      %max3A_72 = arith.maximumf %max3A_71, %sub3A_70 : vector<128x1024xf32>
      %min3A_73 = vector.broadcast %add3A_26 : vector<128x1xf32> to vector<128x1024xf32>
      %min3A_74 = vector.broadcast %add3A_55 : vector<1x1024xf32> to vector<128x1024xf32>
      %min3A_75 = arith.minimumf %min3A_73, %min3A_74 : vector<128x1024xf32>
      %max3A_76 = vector.broadcast %add3A_18 : vector<128x1xf32> to vector<128x1024xf32>
      %max3A_77 = vector.broadcast %add3A_47 : vector<1x1024xf32> to vector<128x1024xf32>
      %max3A_78 = arith.maximumf %max3A_76, %max3A_77 : vector<128x1024xf32>
      %sub3A_79 = arith.subf %min3A_75, %max3A_78 : vector<128x1024xf32>
      %jit3A_80 = arith.constant 0.000000e+00 : f32
      %max3A_81 = vector.broadcast %jit3A_80 : f32 to vector<128x1024xf32>
      %max3A_82 = arith.maximumf %max3A_81, %sub3A_79 : vector<128x1024xf32>
      %mul3A_83 = arith.mulf %max3A_72, %max3A_82 : vector<128x1024xf32>
      %add3A_84 = vector.broadcast %mul3A_33 : vector<128x1xf32> to vector<128x1024xf32>
      %add3A_85 = vector.broadcast %mul3A_64 : vector<1x1024xf32> to vector<128x1024xf32>
      %add3A_86 = arith.addf %add3A_84, %add3A_85 : vector<128x1024xf32>
      %sub3A_87 = arith.subf %add3A_86, %mul3A_83 : vector<128x1024xf32>
      %add3A_88 = arith.constant 9.99999971E-10 : f32
      %add3A_89 = vector.broadcast %add3A_88 : f32 to vector<128x1024xf32>
      %add3A_90 = arith.addf %sub3A_87, %add3A_89 : vector<128x1024xf32>
      %div3A = arith.divf %mul3A_83, %add3A_90 : vector<128x1024xf32>
      %iota3A = tpu.iota {dimensions = array<i32: 0>} : vector<128x1024xi32>
      %add3A_91 = vector.broadcast %mul3A_6 : i32 to vector<128x1024xi32>
      %add3A_92 = arith.addi %iota3A, %add3A_91 : vector<128x1024xi32>
      %iota3A_93 = tpu.iota {dimensions = array<i32: 1>} : vector<128x1024xi32>
      %gt3A = arith.constant 4.500000e-01 : f32
      %gt3A_94 = vector.broadcast %gt3A : f32 to vector<128x1024xf32>
      %gt3A_95 = arith.cmpf ogt, %div3A, %gt3A_94 : vector<128x1024xf32>
      %gt3A_96 = arith.cmpi sgt, %iota3A_93, %add3A_92 : vector<128x1024xi32>
      %and3A = arith.andi %gt3A_95, %gt3A_96 : vector<128x1024xi1>
      %convert_element_type3A_97 = arith.extui %and3A : vector<128x1024xi1> to vector<128x1024xi32>
      %convert_element_type3A_98 = arith.sitofp %convert_element_type3A_97 : vector<128x1024xi32> to vector<128x1024xf32>
      %swap3A = arith.index_cast %mul3A_6 : i32 to index
      %swap3A_99 = arith.constant 0 : index
      %swap3A_100 = vector.load %arg8[%swap3A, %swap3A_99] : memref<1024x1024xf32, #tpu.memory_space<vmem>>, vector<128x1024xf32>
      tpu.vector_store %arg8[%swap3A, %swap3A_99], %convert_element_type3A_98 {strides = array<i32>} : memref<1024x1024xf32, #tpu.memory_space<vmem>>, vector<128x1024xf32>,
    } else {
    }
    %eq3A = arith.constant 8 : i32
    %eq3A_2 = arith.cmpi eq, %arg0, %eq3A : i32
    %convert_element_type3A_3 = arith.extui %eq3A_2 : i1 to i32
    %cond3A_4 = arith.constant 0 : i32
    %cond3A_5 = arith.cmpi ne, %convert_element_type3A_3, %cond3A_4 : i32
    scf.if %cond3A_5 {
      %get3A = arith.constant 0 : index
      %get3A_6 = arith.constant 0 : index
      %get3A_7 = vector.load %arg5[%get3A, %get3A_6] : memref<1x1024xf32, #tpu.memory_space<vmem>>, vector<1x1024xf32>
      %gt3A = arith.constant 0.000000e+00 : f32
      %gt3A_8 = vector.broadcast %gt3A : f32 to vector<1x1024xf32>
      %gt3A_9 = arith.cmpf ogt, %get3A_7, %gt3A_8 : vector<1x1024xf32>
      %convert_element_type3A_10 = arith.extui %gt3A_9 : vector<1x1024xi1> to vector<1x1024xi32>
      %convert_element_type3A_11 = arith.sitofp %convert_element_type3A_10 : vector<1x1024xi32> to vector<1x1024xf32>
      %while3A = arith.constant true
      %while3A_12 = arith.constant 0 : i32
      %while3A_13:3 = scf.while (%while3A_19 = %convert_element_type3A_11, %while3A_20 = %while3A, %while3A_21 = %while3A_12) : (vector<1x1024xf32>, i1, i32) -> (vector<1x1024xf32>, i1, i32) {
        %lt3A_22 = arith.constant 1000 : i32
        %lt3A_23 = arith.cmpi slt, %while3A_21, %lt3A_22 : i32
        %and3A = arith.andi %while3A_20, %lt3A_23 : i1
        scf.condition(%and3A) %while3A_19, %while3A_20, %while3A_21 : vector<1x1024xf32>, i1, i32
      } do {
      ^bb0(%while3A_19: vector<1x1024xf32>, %while3A_20: i1, %while3A_21: i32):
        %get3A_22 = arith.constant 0 : index
        %get3A_23 = arith.constant 0 : index
        %get3A_24 = vector.load %arg8[%get3A_22, %get3A_23] : memref<1024x1024xf32, #tpu.memory_space<vmem>>, vector<1024x1024xf32>
        %dot_general3A = arith.constant dense<0.000000e+00> : vector<1x1024xf32>
        %dot_general3A_25 = tpu.matmul %while3A_19, %get3A_24, %dot_general3A {dimension_numbers = #tpu.dot_dimension_numbers<[1], [0], [0], [1], [0, 0, 1, 1], [], []>, transpose_lhs_hint = false} : vector<1x1024xf32>, vector<1024x1024xf32>, vector<1x1024xf32> -> vector<1x1024xf32>
        %eq3A_26 = arith.constant 0.000000e+00 : f32
        %eq3A_27 = vector.broadcast %eq3A_26 : f32 to vector<1x1024xf32>
        %eq3A_28 = arith.cmpf oeq, %dot_general3A_25, %eq3A_27 : vector<1x1024xf32>
        %convert_element_type3A_29 = arith.extui %eq3A_28 : vector<1x1024xi1> to vector<1x1024xi32>
        %convert_element_type3A_30 = arith.sitofp %convert_element_type3A_29 : vector<1x1024xi32> to vector<1x1024xf32>
        %mul3A_31 = arith.mulf %convert_element_type3A_11, %convert_element_type3A_30 : vector<1x1024xf32>
        %ne3A = arith.cmpf one, %mul3A_31, %while3A_19 : vector<1x1024xf32>
        %reduce_or3A = arith.constant 1.000000e+00 : f32
        %reduce_or3A_32 = arith.constant 0.000000e+00 : f32
        %reduce_or3A_33 = vector.broadcast %reduce_or3A : f32 to vector<1x1024xf32>
        %reduce_or3A_34 = vector.broadcast %reduce_or3A_32 : f32 to vector<1x1024xf32>
        %reduce_or3A_35 = arith.select %ne3A, %reduce_or3A_33, %reduce_or3A_34 : vector<1x1024xi1>, vector<1x1024xf32>
        %reduce_or3A_36 = vector.shape_cast %reduce_or3A_35 : vector<1x1024xf32> to vector<1x1x1024xf32>
        %reduce_or3A_37 = arith.constant dense<0xFF800000> : vector<1xf32>
        %reduce_or3A_38 = vector.multi_reduction <maximumf>, %reduce_or3A_36, %reduce_or3A_37 [1, 2] : vector<1x1x1024xf32> to vector<1xf32>
        %reduce_or3A_39 = vector.shape_cast %reduce_or3A_38 : vector<1xf32> to vector<1x1x1xf32>
        %reduce_or3A_40 = vector.extract %reduce_or3A_39[0, 0, 0] : f32 from vector<1x1x1xf32>
        %reduce_or3A_41 = arith.constant 0.000000e+00 : f32
        %reduce_or3A_42 = arith.cmpf ogt, %reduce_or3A_40, %reduce_or3A_41 : f32
        %add3A = arith.constant 1 : i32
        %add3A_43 = arith.addi %while3A_21, %add3A : i32
        scf.yield %mul3A_31, %reduce_or3A_42, %add3A_43 : vector<1x1024xf32>, i1, i32
      }
      %swap3A = arith.constant 0 : index
      %swap3A_14 = arith.constant 0 : index
      %swap3A_15 = vector.load %arg6[%swap3A, %swap3A_14] : memref<1x1024xf32, #tpu.memory_space<vmem>>, vector<1x1024xf32>
      tpu.vector_store %arg6[%swap3A, %swap3A_14], %while3A_13#0 {strides = array<i32>} : memref<1x1024xf32, #tpu.memory_space<vmem>>, vector<1x1024xf32>,
      %mul3A = arith.mulf %while3A_13#0, %get3A_7 : vector<1x1024xf32>
      %swap3A_16 = arith.constant 0 : index
      %swap3A_17 = arith.constant 0 : index
      %swap3A_18 = vector.load %arg7[%swap3A_16, %swap3A_17] : memref<1x1024xf32, #tpu.memory_space<vmem>>, vector<1x1024xf32>
      tpu.vector_store %arg7[%swap3A_16, %swap3A_17], %mul3A {strides = array<i32>} : memref<1x1024xf32, #tpu.memory_space<vmem>>, vector<1x1024xf32>,
    } else {
    }
    return
  }
  func.func @transform_0(%arg0: i32) -> (i32, i32) {
    %c0_i32 = arith.constant 0 : i32
    %c0_i32_0 = arith.constant 0 : i32
    %c0_i32_1 = arith.constant 0 : i32
    return %c0_i32, %c0_i32_0 : i32, i32
  }
  func.func @transform_1(%arg0: i32) -> (i32, i32) {
    %c0_i32 = arith.constant 0 : i32
    %c0_i32_0 = arith.constant 0 : i32
    %c0_i32_1 = arith.constant 0 : i32
    return %c0_i32, %c0_i32_0 : i32, i32
  }
  func.func @transform_2(%arg0: i32) -> (i32, i32) {
    %c0_i32 = arith.constant 0 : i32
    %c0_i32_0 = arith.constant 0 : i32
    %c0_i32_1 = arith.constant 0 : i32
    return %c0_i32, %c0_i32_0 : i32, i32
  }
  func.func @transform_3(%arg0: i32) -> (i32, i32) {
    %c0_i32 = arith.constant 0 : i32
    %c0_i32_0 = arith.constant 0 : i32
    %c0_i32_1 = arith.constant 0 : i32
    return %c0_i32, %c0_i32_0 : i32, i32
  }
  func.func @transform_4(%arg0: i32) -> (i32, i32) {
    %c0_i32 = arith.constant 0 : i32
    %c0_i32_0 = arith.constant 0 : i32
    %c0_i32_1 = arith.constant 0 : i32
    return %c0_i32, %c0_i32_0 : i32, i32
  }
  func.func @transform_5(%arg0: i32) -> (i32, i32) {
    %c0_i32 = arith.constant 0 : i32
    %c0_i32_0 = arith.constant 0 : i32
    %c0_i32_1 = arith.constant 0 : i32
    return %c0_i32, %c0_i32_0 : i32, i32
  }
  func.func @transform_6(%arg0: i32) -> (i32, i32) {
    %c0_i32 = arith.constant 0 : i32
    %c0_i32_0 = arith.constant 0 : i32
    %c0_i32_1 = arith.constant 0 : i32
    return %c0_i32, %c0_i32_0 : i32, i32
  }
}

</mosaic_0001>

<sc_bundles>
// kernel: kernel.4.cloned.1.call-start
scs
__scs_entry_jumppad:
0x0: {  	(pc) =	sbr.rel $0x88, $3  }
0x1: {  	(tag) =	ssettag $0x0;
	lr =	simm.s32 $0x1  }
0x2: {  	[smem:$0x3FA0] =	sst lr;
	_ =	strace $0xD0000000  }
0x3: {  	_ = 	snop  }
0x4: {  	_ = 	snop  }
0x5: {  	_ = 	snop  }
0x6: {  	_ = 	snop  }
0x7: {  	_ = 	snop  }
__scs_overlays_trampoline_lowered:
0x8: {  	[smem:$0x3FAF] =	sst s0  }
0x9: {  	[smem:$0x3FB0] =	sst s1  }
0xa: {  	[smem:$0x3FB1] =	sst s2  }
0xb: {  	[smem:$0x3FB2] =	sst s3  }
0xc: {  	[smem:$0x3FB3] =	sst s4  }
0xd: {  	[smem:$0x3FB4] =	sst s5  }
0xe: {  	[smem:$0x3FB5] =	sst s6  }
0xf: {  	[smem:$0x3FB6] =	sst s7  }
0x10: {  	[smem:$0x3FB7] =	sst s8  }
0x11: {  	[smem:$0x3FB8] =	sst s9;
	s0 =	simm.s32 @!p0 $0x0  }
0x12: {  	s1 =	sld [smem:$0x3F9E];
	s0 =	simm.s32 @p0 $0x1  }
0x13: {  	[smem:$0x3FB9] =	sst s0;
	s0 =	simm.s32 @!p1 $0x0  }
0x14: {  	s2 =	sld [smem:$0x3F9D];
	s0 =	simm.s32 @p1 $0x1  }
0x15: {  	[smem:$0x3FBA] =	sst s0;
	s0 =	simm.s32 @!p2 $0x0  }
0x16: {  	s3 =	sld [smem:$0x3FDB];
	s0 =	simm.s32 @p2 $0x1  }
0x17: {  	s4 =	simm.s32 $0x1BF5;
	[smem:$0x3FBC] =	sst s0  }
0x18: {  	s0 =	sld [smem:$0x3F9F];
	_ =	swait.ge [sflag:s4], $0x0  }
0x19: {  	s7 =	sld [smem:$0x3FA0]  }
0x1a: {  	s8 =	sadd.s32 $0xFFFFE003, lr  }
0x1b: {  	s9 =	sadd.s32 $0xFFFFFEF7, lr;
	s5 =	simm.s32 $0xFFFFFFFF;
	p2 =	slt.u32 s8, $0xFFFFF086  }
0x1c: {  	p1 =	slt.u32 s9, $0xF7A;
	s5 =	simm.s32 @!p2 $0x0  }
0x1d: {  	s5 =	simm.s32 @p1 $0x1;
	p0 =	seq.s32 s7, s2  }
0x1e: {  	s7 =	smul.u32 @!p0 $0xF7A, s2;
	p2 =	seq.s32 @!p0 s5, $0x0  }
0x1f: {  	s9 =	smul.u32 $0xF7A, s1;
	s8 =	simm.s32 @!p0 $0x1BF5;
	p2 =	por !p2, p0  }
0x20: {  	[sflag:s8] =	ssyncset.s32 @!p0 $0xFFFFF086;
	s6 =	sadd.s32 @!p0 s3, s7;
	s7 =	simm.s32 @!p0 $0x108  }
0x21: {  	s3 =	sadd.s32 s3, s9;
	s6 =	sadd.s32 @!p0 $0x88, s6;
	s7 =	simm.s32 @p2 $0x1082  }
0x22: {  	[simem:s7], [sflag:s8] =	dma.local @!p0 [hbm:s6], $0xF7A  }
0x23: {  	s9 =	sor.u32 $0xD0000000, s2;
	s6 =	simm.s32 $0x108;
	_ =	swait.ge @!p0 [sflag:s8], $0x0  }
0x24: {  	s3 =	sadd.s32 $0x88, s3;
	s6 =	simm.s32 @!p1 $0x1082;
	[sflag:s4] =	ssyncset.s32 $0xFFFFF086  }
0x25: {  	[simem:s6], [sflag:s4] =	dma.local [hbm:s3], $0xF7A  }
0x26: {  	[smem:$0x3FA0] =	sst s1;
	(tag) =	ssettag s2;
	_ =	strace s9  }
0x27: {  	s1 =	sld [smem:$0x3FB0]  }
0x28: {  	s2 =	sld [smem:$0x3FB1]  }
0x29: {  	s4 =	sld [smem:$0x3FB3]  }
0x2a: {  	p0 =	seq.s32 s5, $0x0;
	s5 =	sld [smem:$0x3FB4]  }
0x2b: {  	s6 =	sld [smem:$0x3FB5]  }
0x2c: {  	s7 =	sld [smem:$0x3FB6]  }
0x2d: {  	s3 =	simm.s32 $0x108;
	s8 =	sld [smem:$0x3FB7]  }
0x2e: {  	s3 =	simm.s32 @!p0 $0x1082;
	s9 =	sld [smem:$0x3FB8]  }
0x2f: {  	lr =	sadd.s32 s0, s3;
	s0 =	sld [smem:$0x3FAF]  }
0x30: {  	s3 =	sld [smem:$0x3FB2]  }
0x31: {  	[smem:$0x3FBB] =	sst s10  }
0x32: {  	s10 =	sld [smem:$0x3FB9];
	_ =	sdelay $0x3  }
0x33: {  	p0 =	seq.s32 s10, $0x1;
	s10 =	sld [smem:$0x3FBB];
	_ =	sdelay $0x3  }
0x34: {  	[smem:$0x3FBB] =	sst s10  }
0x35: {  	s10 =	sld [smem:$0x3FBA];
	_ =	sdelay $0x3  }
0x36: {  	p1 =	seq.s32 s10, $0x1;
	s10 =	sld [smem:$0x3FBB];
	_ =	sdelay $0x3  }
0x37: {  	[smem:$0x3FBB] =	sst s10  }
0x38: {  	s10 =	sld [smem:$0x3FBC]  }
0x39: {  	_ = 	snop;
	(pc) =	sbr.ind lr, $3  }
0x3a: {  	_ = 	snop  }
0x3b: {  	_ = 	snop  }
0x3c: {  	p2 =	seq.s32 s10, $0x1;
	s10 =	sld [smem:$0x3FBB]  }
0x3d: {  	_ =	shalt  }
0x3e: {  	_ =	shalt  }
0x3f: {  	_ =	shalt  }
0x40: {  	_ =	shalt  }
0x41: {  	_ =	shalt  }
0x42: {  	_ =	shalt  }
0x43: {  	_ =	shalt  }
0x44: {  	_ =	shalt  }
0x45: {  	_ =	shalt  }
0x46: {  	_ =	shalt  }
0x47: {  	_ =	shalt  }
0x48: {  	_ =	shalt  }
0x49: {  	_ =	shalt  }
0x4a: {  	_ =	shalt  }
0x4b: {  	_ =	shalt  }
0x4c: {  	_ =	shalt  }
0x4d: {  	_ =	shalt  }
0x4e: {  	_ =	shalt  }
0x4f: {  	_ =	shalt  }
0x50: {  	_ =	shalt  }
0x51: {  	_ =	shalt  }
0x52: {  	_ =	shalt  }
0x53: {  	_ =	shalt  }
0x54: {  	_ =	shalt  }
0x55: {  	_ =	shalt  }
0x56: {  	_ =	shalt  }
0x57: {  	_ =	shalt  }
0x58: {  	_ =	shalt  }
0x59: {  	_ =	shalt  }
0x5a: {  	_ =	shalt  }
0x5b: {  	_ =	shalt  }
0x5c: {  	_ =	shalt  }
0x5d: {  	_ =	shalt  }
0x5e: {  	_ =	shalt  }
0x5f: {  	_ =	shalt  }
0x60: {  	_ =	shalt  }
0x61: {  	_ =	shalt  }
0x62: {  	_ =	shalt  }
0x63: {  	_ =	shalt  }
0x64: {  	_ =	shalt  }
0x65: {  	_ =	shalt  }
0x66: {  	_ =	shalt  }
0x67: {  	_ =	shalt  }
0x68: {  	_ =	shalt  }
0x69: {  	_ =	shalt  }
0x6a: {  	_ =	shalt  }
0x6b: {  	_ =	shalt  }
0x6c: {  	_ =	shalt  }
0x6d: {  	_ =	shalt  }
0x6e: {  	_ =	shalt  }
0x6f: {  	_ =	shalt  }
0x70: {  	_ =	shalt  }
0x71: {  	_ =	shalt  }
0x72: {  	_ =	shalt  }
0x73: {  	_ =	shalt  }
0x74: {  	_ =	shalt  }
0x75: {  	_ =	shalt  }
0x76: {  	_ =	shalt  }
0x77: {  	_ =	shalt  }
0x78: {  	_ =	shalt  }
0x79: {  	_ =	shalt  }
0x7a: {  	_ =	shalt  }
0x7b: {  	_ =	shalt  }
0x7c: {  	_ =	shalt  }
0x7d: {  	_ =	shalt  }
0x7e: {  	_ =	shalt  }
0x7f: {  	_ =	shalt  }
0x80: {  	_ =	shalt  }
0x81: {  	_ =	shalt  }
0x82: {  	_ =	shalt  }
0x83: {  	_ =	shalt  }
0x84: {  	_ =	shalt  }
0x85: {  	_ =	shalt  }
0x86: {  	_ =	shalt  }
0x87: {  	_ =	shalt  }
.Lfunc_end0:
.L_simem_size_0:
called_computation_lowered:
.L_overlay_start_0:
0x88: {  	s2 =	sld [smem:$0x3FD9]  }
0x89: {  	s3 =	sld [smem:$0x3FFE];
	_ =	sdelay $0x1  }
0x8a: {  	s1 =	srdreg.scid  }
0x8b: {  	s0 =	sand.u32 $0x1, s1  }
0x8c: {  	s16 =	sshll.u32 s0, $0xA;
	s2 =	sadd.s32 s3, s2  }
0x8d: {  	s2 =	sadd.s32 s2, s16  }
0x8e: {  	[smem:$0x3FC7] =	sst s2  }
0x8f: {  	_ = 	snop  }
0x90: {  	(tm) =	ssettm $0x1  }
0x91: {  	s17 =	sld [smem:$0x3FFB];
	_ =	sdelay $0x3  }
0x92: {  	_ =	strace s17  }
0x93: {  	s2 =	sld [smem:$0x3FFC];
	_ =	sdelay $0x3  }
0x94: {  	_ =	strace s2  }
0x95: {  	s2 =	sld [smem:$0x3FFD];
	_ =	sdelay $0x3  }
0x96: {  	_ =	strace s2  }
0x97: {  	_ =	strace $0x8FFFFFFF  }
0x98: {  	s18 =	sld [smem:$0x3FDB];
	_ =	sdelay $0x1  }
0x99: {  	s19 =	simm.s32 $_scs_section_size  }
0x9a: {  	s4 =	simm.s32 $_size__tile_overlayer_lowered;
	s5 =	simm.s32 $_tile_overlayer_lowered  }
0x9b: {  	s22 =	simm.s32 $0x1BFF;
	s21 =	sshll.u32 s5, $0x1;
	s2 =	sadd.s32 s19, s18  }
0x9c: {  	s6 =	simm.s32 $0x0;
	s20 =	sshll.u32 s4, $0x1;
	s4 =	sadd.s32 s21, s2  }
0x9d: {  	[timem:s6], [sflag:s22] =	dma.local [hbm:s4], s20  }
0x9e: {  	_ =	swait.ge [sflag:s22], s20  }
0x9f: {  	s3 =	ssub.s32 $0x0, s20;
	[sflag:s22] =	ssyncset.done $0x0  }
0xa0: {  	[sflag:s22] =	ssyncadd.s32 s3;
	_ =	sdelay $0x1  }
0xa1: {  	s23 =	simm.s32 $0x1B8B  }
0xa2: {  	_ =	swait.ge [sflag:s23], $0x1  }
0xa3: {  	[sflag:s23] =	ssyncset.done $0x0  }
0xa4: {  	s25 =	simm.s32 $0x1B8E;
	s24 =	sld [smem:$0x3FFE];
	[sflag:s23] =	ssyncadd.s32 $0xFFFFFFFF  }
0xa5: {  	s26 =	simm.s32 $execute0_lowered;
	[smem:$0x3FD2] =	sst s25  }
0xa6: {  	s4 =	sshll.u32 s26, $0x1;
	_ =	strace $0x80000046;
	[dreg:$0x1] =	wrdreg $0xFFFFFFFF  }
0xa7: {  	s28 =	simm.s32 $_size_execute0_lowered;
	s2 =	sadd.s32 s2, s4;
	[dreg:$0x0] =	wrdreg $0x0  }
0xa8: {  	s4 =	sshll.u32 s28, $0x1;
	[dreg:$0x2] =	wrdreg s2  }
0xa9: {  	[dreg:$0x3] =	wrdreg s4  }
0xaa: {  	[dreg:$0x4] =	wrdreg $0xC0  }
0xab: {  	_ =	task [dreg:s6], $0x5FFFF  }
0xac: {  	[dreg:$0x1] =	wrdreg $0xFFFFFFFF  }
0xad: {  	[dreg:$0x0] =	wrdreg $0x60  }
0xae: {  	[dreg:$0x2] =	wrdreg s24  }
0xaf: {  	[dreg:$0x3] =	wrdreg $0x9  }
0xb0: {  	_ =	task.clear_ibuf [dreg:s6], $0x4FFFF;
	_ =	strace $0x90000046  }
0xb1: {  	s29 =	simm.s32 $0x9;
	_ =	strace $0x80000048  }
0xb2: {  	_ =	swait.ge [sflag:s29], $0x1  }
0xb3: {  	[sflag:s29] =	ssyncadd.s32 $0xFFFFFFFF  }
0xb4: {  	_ =	strace $0x90000048  }
0xb5: {  	_ =	sfence  }
0xb6: {  	s30 =	sld [smem:$0x0];
	_ =	sdelay $0x2  }
0xb7: {  	s31 =	sshll.u32 s1, $0xD;
	s1 =	sshrl.u32 s1, $0x2  }
0xb8: {  	s3 =	sand.u32 $0x4000, s31;
	s1 =	sadd.s32 s1, s30  }
0xb9: {  	s0 =	sor.u32 s3, s0;
	s1 =	sshll.u32 s1, $0x11  }
0xba: {  	s0 =	sor.u32 s1, s0  }
0xbb: {  	s0 =	sadd.s32 $0x8F2B, s0  }
0xbc: {  	[sflag:s0] =	ssyncadd.remote.s32 $0x1  }
0xbd: {  	_ =	sfence.sel $0xFFFF  }
0xbe: {  	[dreg:$0x0] =	wrdreg $0xFFFFFFFF;
	(pc) =	sbr.abs _section_cstart, $3  }
0xbf: {  	[dreg:$0x1] =	wrdreg $0xFFFFFFFF  }
0xc0: {  	_ =	task.clear_ibuf [dreg:s6], $0x2FFFF;
	_ =	strace $0x9FFFFFFF  }
0xc1: {  	(tm) =	ssettm $0x7FFFFFFF  }
tec
execute0_lowered:
.L_overlay_start_1:
0x0: {  	(tag) =	ssettag $0x1  }
0x1: {  	s3 =	rddreg [dreg:$0x0];
	s2 =	simm.s32 $0x0  }
0x2: {  	[smem:$0x7FF] =	sst s2  }
0x3: {  	s0 =	rddreg [dreg:$0x1];
	v0 =	vimm.f32 $3.333333430e-01;
	_ =	strace $0x80000047  }
0x4: {  	s4 =	srdreg.scid;
	s1 =	stileid.u32;
	(erf) = vrcp.f32 v0  }
0x5: {  	s4 =	sand.u32 $0x1, s4;
	s5 =	sshll.u32 s1, $0x1  }
0x6: {  	s5 =	sor.u32 s4, s5  }
0x7: {  	s6 =	smul.u32 $0x270, s5;
	v0 =	vlaneseq.u32  }
0x8: {  	v1 =	vor.u32 $0x80000040, v0;
	v2 =	vor.u32 $0x80000030, v0;
	v10 =	vmul.u32 $0x60, v0  }
0x9: {  	s4 =	ssub.s32 $0x2, s4;
	v3 =	vor.u32 $0x80000020, v0;
	v4 =	vor.u32 $0x80000010, v0;
	v5 =	vor.u32 $0x80000000, v0  }
0xa: {  	s8 =	simm.s32 $0xF900;
	s5 =	smul.u32 $0x1D40, s5;
	s7 =	sshrl.u32 s4, $0x1;
	v17 =	vmul.u32 $0x8, v0;
	v6 =	vor.u32 $0xF000, v10;
	v7 =	vor.u32 $0xF001, v10  }
0xb: {  	s9 =	simm.s32 $0xFC00;
	s10 =	simm.s32 $0x0;
	s7 =	ssub.s32 s4, s7;
	v8 =	vor.u32 $0xF002, v10;
	v9 =	vor.u32 $0xF003, v10;
	v10 =	vor.u32 $0xF004, v10  }
0xc: {  	s6 =	sadd.s32 s6, s3;
	s3 =	sadd.s32 s3, s5;
	s5 =	smax.u32 s7, $0x1;
	v11 =	vor.u32 $0x1400, v17;
	v12 =	vor.u32 $0x1401, v17;
	v13 =	vor.u32 $0x1402, v17  }
0xd: {  	s7 =	simm.s32 $0xF600;
	s4 =	sadd.s32 $0x3AA00, s6;
	s6 =	simm.s32 $0x1;
	v15 =	vor.u32 $0x1403, v17;
	v16 =	vor.u32 $0x1404, v17;
	v17 =	vor.u32 $0x1405, v17;
	v14 =	vpop (erf)  }
.LBB2_1:
0xe: {  	[tilespmem:s2], [sflag:$0x1] =	stream.linear.gather [hbm4b:s3+s2], $0xF600, $0x38;
	[tilespmem:$0x11080] =	vst v63  }
0xf: {  	_ =	swait.ge [sflag:s6], $0xF600  }
0x10: {  	[sflag:s6] =	ssyncset.done $0x0  }
0x11: {  	s11 =	simm.s32 $0x70;
	[sflag:s6] =	ssyncadd.s32 $0xFFFF0A00  }
0x12: {  	v19 =	vld [tilespmem:s11+$0x0]  }
0x13: {  	v20 =	vld [tilespmem:s11+$0x10]  }
0x14: {  	v21 =	vld [tilespmem:s11+$0x20]  }
0x15: {  	v22 =	vld [tilespmem:s11+$0x30]  }
0x16: {  	v23 =	vld [tilespmem:s11+$0x40]  }
0x17: {  	v25 =	vld [tilespmem:s11+$0xFFFFFFB0]  }
0x18: {  	v27 =	vld [tilespmem:s11+$0xFFFFFFA0]  }
0x19: {  	v26 =	vld [tilespmem:s11+$0xFFFFFFC0];
	v18 =	vmax.f32 v19, v20  }
0x1a: {  	v24 =	vld [tilespmem:s11+$0xFFFFFFD0];
	v18 =	vmax.f32 v18, v21  }
0x1b: {  	v28 =	vld [tilespmem:s11+$0xFFFFFFE0];
	v18 =	vmax.f32 v18, v22  }
0x1c: {  	v18 =	vmax.f32 v18, v23  }
0x1d: {  	(xrf0) =	vmax.scan.msk.f32 $0xffff, v18;
	v18 =	vmax.f32 v27, v25  }
0x1e: {  	v18 =	vmax.f32 v18, v26  }
0x1f: {  	s29 =	simm.s32 $0x130;
	v18 =	vmax.f32 v18, v24  }
0x20: {  	v30 =	vld [tilespmem:s29+$0x0];
	v18 =	vmax.f32 v18, v28  }
0x21: {  	v29 =	vld [tilespmem:s29+$0x10]  }
0x22: {  	v31 =	vld [tilespmem:s29+$0x20]  }
0x23: {  	v32 =	vld [tilespmem:s29+$0x30];
	(xrf0) =	vmax.scan.msk.f32 $0xffff, v18;
	v18, _, _ =	vpop (xrf0)  }
0x24: {  	v18 =	vbroadcast v18, $0xF  }
0x25: {  	v33 =	vld [tilespmem:s29+$0x40]  }
0x26: {  	v34 =	vmax.f32 v30, v29;
	vm0 =	veq.f32 v23, v18  }
0x27: {  	v35 =	vld [tilespmem:s29+$0xFFFFFFB0];
	v34 =	vmax.f32 v34, v31;
	vm1 =	veq.f32 v22, v18;
	v22 =	vnsel vm0, $0x80001000, v1  }
0x28: {  	v36 =	vld [tilespmem:s29+$0xFFFFFFA0];
	v23 =	vmax.f32 v34, v32;
	vm10 =	veq.f32 v21, v18;
	v21 =	vsel vm1, v2, v22  }
0x29: {  	v37 =	vld [tilespmem:s29+$0xFFFFFFC0];
	vm11 =	veq.f32 v20, v18;
	vm12 =	veq.f32 v19, v18;
	v55, _, _ =	vpop (xrf0);
	v20 =	vsel vm10, v3, v21  }
0x2a: {  	v38 =	vld [tilespmem:s29+$0xFFFFFFD0];
	v23 =	vmax.f32 v23, v33;
	v40 =	vbroadcast v55, $0xF;
	v19 =	vsel vm11, v4, v20  }
0x2b: {  	v39 =	vld [tilespmem:s29+$0xFFFFFFE0];
	(xrf0) =	vmax.scan.msk.f32 $0xffff, v23;
	v19 =	vsel vm12, v5, v19  }
0x2c: {  	vm13 =	veq.f32 v28, v40;
	(xrf0) =	vmin.scan.msk.u32 $0xffff, v19  }
0x2d: {  	s30 =	simm.s32 $0x1F0;
	v20 =	vmax.f32 v36, v35;
	vm14 =	veq.f32 v24, v40;
	v22 =	vnsel vm13, $0x80001000, v1  }
0x2e: {  	v24 =	vld [tilespmem:s30+$0x0];
	v20 =	vmax.f32 v20, v37;
	v22 =	vsel vm14, v2, v22  }
0x2f: {  	vm15 =	veq.f32 v26, v40;
	v26 =	vld [tilespmem:s30+$0x10];
	v20 =	vmax.f32 v20, v38  }
0x30: {  	vm4 =	veq.f32 v25, v40;
	v25 =	vld [tilespmem:s30+$0x20];
	v19 =	vmax.f32 v20, v39;
	v20 =	vsel vm15, v3, v22  }
0x31: {  	vm5 =	veq.f32 v27, v40;
	v20 =	vsel vm4, v4, v20;
	v22, _, _ =	vpop (xrf0)  }
0x32: {  	v21 =	vmov s2;
	v27 =	vld [tilespmem:s30+$0x30];
	(xrf0) =	vmax.scan.msk.f32 $0xffff, v19;
	v19 =	vbroadcast v22, $0xF;
	v22 =	vsel vm5, v5, v20;
	v57, _, _ =	vpop (xrf0)  }
0x33: {  	s13 =	simm.s32 $0x2;
	v34 =	vld [tilespmem:s30+$0x40];
	v21 =	vand.u32 $0xFFFFFFFE, v21;
	(xrf0) =	vmin.scan.msk.u32 $0xffff, v22;
	(v2sf) =	vpush v57, $0xF  }
0x34: {  	v23 =	vmax.f32 v24, v26;
	v20 =	vbroadcast v21, $0x0;
	v21 =	vmov s13  }
0x35: {  	v56 =	vmax.f32 v23, v25;
	v23 =	vld [tilespmem:s30+$0xFFFFFFA0];
	v21 =	vand.u32 $0xFFFFFFFE, v21;
	vm6 =	veq.f32 v33, v19  }
0x36: {  	v22 =	vld [tilespmem:s30+$0xFFFFFFB0];
	vm7 =	veq.f32 v32, v19;
	vm8 =	veq.f32 v31, v19;
	v28 =	vnsel vm6, $0x80001000, v1  }
0x37: {  	v31 =	vmax.f32 v56, v27;
	vm9 =	veq.f32 v29, v19;
	v29 =	vld [tilespmem:s30+$0xFFFFFFC0];
	v28 =	vsel vm7, v2, v28  }
0x38: {  	vm10 =	veq.f32 v30, v19;
	v41 =	vmax.f32 v31, v34;
	v31 =	vld [tilespmem:s30+$0xFFFFFFD0];
	v58, _, _ =	vpop (xrf0);
	v28 =	vsel vm8, v3, v28  }
0x39: {  	v21 =	vbroadcast v21, $0x0;
	v33 =	vld [tilespmem:s30+$0xFFFFFFE0];
	(xrf0) =	vmax.scan.msk.f32 $0xffff, v41;
	v30 =	vbroadcast v58, $0xF;
	v28 =	vsel vm9, v4, v28;
	v59, _, _ =	vpop (xrf0)  }
0x3a: {  	v28 =	vsel vm10, v5, v28;
	(v2sf) =	vpush v59, $0xF  }
0x3b: {  	vm11 =	veq.f32 v39, v30;
	(xrf0) =	vmin.scan.msk.u32 $0xffff, v28;
	v28 =	vmax.f32 v23, v22  }
0x3c: {  	vm12 =	veq.f32 v38, v30;
	vm13 =	veq.f32 v37, v30;
	v28 =	vmax.f32 v28, v29  }
0x3d: {  	vm14 =	veq.f32 v35, v30;
	v60 =	vnsel vm11, $0x80001000, v1;
	v61 =	vmax.f32 v28, v31  }
0x3e: {  	s17 =	simm.s32 $0x2B0;
	s31 =	simm.s32 $0x1;
	vm15 =	veq.f32 v36, v30;
	v32 =	vsel vm12, v2, v60;
	v37 =	vmax.f32 v61, v33  }
0x3f: {  	[tilespmem:v21+s7+$0x0] =	vst.idx.msk $0x1, v30;
	v30 =	vmov s31;
	v28 =	vld [tilespmem:s17+$0x0];
	v62 =	vsel vm13, v3, v32;
	v38, _, _ =	vpop (xrf0);
	(xrf0) =	vmax.scan.msk.f32 $0xffff, v37  }
0x40: {  	v32 =	vld [tilespmem:s17+$0x10];
	v63 =	vsel vm14, v4, v62  }
0x41: {  	s16 =	simm.s32 $0x4;
	s14 =	simm.s32 $0x6;
	s18 =	simm.s32 $0x8;
	[tilespmem:v20+s7+$0x0] =	vst.idx.msk $0x1, v40;
	v35 =	vld [tilespmem:s17+$0x20];
	v37 =	vsel vm15, v5, v63;
	v36, _, _ =	vpop (xrf0)  }
.LBB2_2:
0x42: {  	p0 =	slt.u32 s18, $0x28E;
	v39 =	vld [tilespmem:s17+$0x30];
	v41 =	vmov s16;
	v38 =	vbroadcast v38, $0xF;
	(xrf0) =	vmin.scan.msk.u32 $0xffff, v37;
	(v2sf) =	vpush v36, $0xF;
	s11 =	spop (v2sf);
	v36 =	vmovc v31  }
0x43: {  	v40 =	vmov v33;
	v37 =	vld [tilespmem:s17+$0x40];
	v31 =	vand.u32 $0xFFFFFFFE, v41;
	s11 =	sxor.u32 $0x80000000, s11  }
0x44: {  	s15 =	simm.s32 $0x10;
	v41 =	vld [tilespmem:s17+$0xFFFFFFB0];
	v42 =	vbroadcast v31, $0x0;
	vm0 =	veq.f32 v34, v38;
	[tilespmem:v30+s7+$0x0] =	vst.idx.msk $0x1, v18;
	v31 =	vmov s11;
	v18 =	vmovc v19;
	v19 =	vmovc v38  }
0x45: {  	s12 =	simm.s32 $0xF910;
	s11 =	simm.s32 $0xF610;
	v38 =	vld [tilespmem:s17+$0xFFFFFFA0];
	v33 =	vmax.f32 v28, v32;
	vm1 =	veq.f32 v27, v19;
	v44 =	vnsel vm0, $0x80001000, v1;
	v34, _, _ =	vpop (xrf0);
	[tilespmem:v30+s8+$0x0] =	vst.idx.msk $0x1, v31  }
0x46: {  	vm0 =	veq.f32 v25, v19;
	v43 =	vld [tilespmem:s17+$0xFFFFFFC0];
	v30 =	vmax.f32 v33, v35;
	v33 =	vsel vm1, v2, v44;
	v25 =	vmovc v35  }
0x47: {  	vm1 =	veq.f32 v26, v19;
	v31 =	vld [tilespmem:s17+$0xFFFFFFD0];
	v30 =	vmax.f32 v30, v39;
	v35 =	vsel vm0, v3, v33;
	v27 =	vmovc v39  }
0x48: {  	vm0 =	veq.f32 v24, v19;
	v33 =	vld [tilespmem:s17+$0xFFFFFFE0];
	v30 =	vmax.f32 v30, v37;
	v44 =	vsel vm1, v4, v35;
	v26, _, _ =	vpop (xrf0)  }
0x49: {  	(xrf0) =	vmax.scan.msk.f32 $0xffff, v30;
	v30 =	vbroadcast v34, $0xF;
	v39 =	vsel vm0, v5, v44;
	(v2sf) =	vpush v26, $0xF;
	s19 =	spop (v2sf);
	v34 =	vmovc v37  }
0x4a: {  	v24 =	vmovc v28;
	v26 =	vmov v32;
	v35 =	vmax.f32 v38, v41;
	(xrf0) =	vmin.scan.msk.u32 $0xffff, v39;
	s19 =	sxor.u32 $0x80000000, s19  }
0x4b: {  	v28 =	vmax.f32 v35, v43;
	vm0 =	veq.f32 v36, v30;
	vm1 =	veq.f32 v40, v30  }
.Ltmp0:
0x4c: {  	vm2 =	veq.f32 v29, v30;
	v28 =	vmax.f32 v28, v31;
	[tilespmem:v42+s7+$0x0] =	vst.idx.msk $0x1, v30;
	v29 =	vnsel vm1, $0x80001000, v1;
	(pc) =	sbr.rel @p0 .LBB2_2-.Ltmp0, $4  }
0x4d: {  	s20 =	sadd.s32 $0x1, s13;
	s13 =	smov.u32 s16;
	s17 =	sadd.s32 $0xC0, s17;
	vm1 =	veq.f32 v22, v30;
	v22 =	vmovc v41;
	v32 =	vmax.f32 v28, v33;
	v36 =	vsel vm0, v2, v29  }
0x4e: {  	s16 =	smov.u32 s14;
	s14 =	smov.u32 s18;
	vm0 =	veq.f32 v23, v30;
	v30 =	vmov s20;
	v23 =	vmovc v38;
	v28 =	vld [tilespmem:s17+$0x0];
	(xrf0) =	vmax.scan.msk.f32 $0xffff, v32;
	v35 =	vsel vm2, v3, v36  }
0x4f: {  	v39 =	vmov s19;
	v32 =	vld [tilespmem:s17+$0x10];
	v38, _, _ =	vpop (xrf0);
	v40 =	vsel vm1, v4, v35;
	v29 =	vmov v43  }
0x50: {  	s18 =	sadd.s32 $0x2, s18;
	v35 =	vld [tilespmem:s17+$0x20];
	v37 =	vsel vm0, v5, v40;
	v36, _, _ =	vpop (xrf0);
	[tilespmem:v20+s8+$0x0] =	vst.idx.msk $0x1, v39;
	v20 =	vmov v21;
	v21 =	vmov v42  }
0x51: {  	v39 =	vld [tilespmem:s17+$0x30]  }
0x52: {  	v40 =	vld [tilespmem:s17+$0x40]  }
0x53: {  	v41 =	vld [tilespmem:s17+$0xFFFFFFB0]  }
0x54: {  	v38 =	vbroadcast v38, $0xF;
	v42 =	vld [tilespmem:s17+$0xFFFFFFA0]  }
0x55: {  	v43 =	vld [tilespmem:s17+$0xFFFFFFC0]  }
0x56: {  	vm0 =	veq.f32 v34, v38;
	vm1 =	veq.f32 v27, v38;
	v27 =	vld [tilespmem:s17+$0xFFFFFFD0];
	vm8 =	veq.f32 v25, v38  }
0x57: {  	v25 =	vld [tilespmem:s17+$0xFFFFFFE0];
	vm9 =	veq.f32 v26, v38;
	v58 =	vmax.f32 v28, v32;
	v44 =	vnsel vm0, $0x80001000, v1  }
0x58: {  	vm10 =	veq.f32 v24, v38;
	v34 =	vmax.f32 v58, v35;
	v44 =	vsel vm1, v2, v44  }
0x59: {  	v34 =	vmax.f32 v34, v39;
	v26 =	vsel vm8, v3, v44;
	v59 =	vmax.f32 v42, v41  }
0x5a: {  	(xrf0) =	vmin.scan.msk.u32 $0xffff, v37;
	v34 =	vmax.f32 v34, v40;
	v24 =	vsel vm9, v4, v26;
	v26 =	vmax.f32 v59, v43  }
0x5b: {  	v60, _, _ =	vpop (xrf0);
	(xrf0) =	vmax.scan.msk.f32 $0xffff, v34;
	v24 =	vsel vm10, v5, v24;
	v26 =	vmax.f32 v26, v27  }
0x5c: {  	(xrf0) =	vmin.scan.msk.u32 $0xffff, v24;
	v24 =	vmax.f32 v26, v25;
	v26 =	vbroadcast v60, $0xF;
	_ =	sdelay $0x1  }
0x5d: {  	(xrf0) =	vmax.scan.msk.f32 $0xffff, v24;
	vm11 =	veq.f32 v33, v26  }
0x5e: {  	vm12 =	veq.f32 v31, v26;
	v31 =	vnsel vm11, $0x80001000, v1  }
0x5f: {  	vm13 =	veq.f32 v29, v26;
	v29 =	vsel vm12, v2, v31  }
0x60: {  	v24, _, _ =	vpop (xrf0)  }
0x61: {  	v31, _, _ =	vpop (xrf0)  }
0x62: {  	vm14 =	veq.f32 v22, v26;
	v22 =	vsel vm13, v3, v29;
	v29, _, _ =	vpop (xrf0);
	v31 =	vbroadcast v31, $0xF  }
0x63: {  	(v2sf) =	vpush v36, $0xF;
	vm15 =	veq.f32 v23, v26;
	v22 =	vsel vm14, v4, v22;
	v23, _, _ =	vpop (xrf0)  }
0x64: {  	v22 =	vsel vm15, v5, v22;
	vm4 =	veq.f32 v40, v31;
	v23 =	vbroadcast v23, $0xF  }
0x65: {  	vm5 =	veq.f32 v39, v31;
	vm6 =	veq.f32 v35, v31;
	vm7 =	veq.f32 v32, v31  }
0x66: {  	vm9 =	veq.f32 v28, v31;
	v61 =	vnsel vm4, $0x80001000, v1;
	vm2 =	veq.f32 v25, v23  }
0x67: {  	v33 =	vsel vm5, v2, v61;
	vm8 =	veq.f32 v27, v23;
	v27 =	vnsel vm2, $0x80001000, v1  }
0x68: {  	vm10 =	veq.f32 v43, v23;
	v25 =	vsel vm6, v3, v33;
	v27 =	vsel vm8, v2, v27  }
0x69: {  	(xrf0) =	vmin.scan.msk.u32 $0xffff, v22;
	vm11 =	veq.f32 v41, v23;
	v22 =	vsel vm7, v4, v25;
	v25 =	vsel vm10, v3, v27  }
0x6a: {  	vm12 =	veq.f32 v42, v23;
	v22 =	vsel vm9, v5, v22;
	v25 =	vsel vm11, v4, v25  }
0x6b: {  	(v2sf) =	vpush v24, $0xF;
	(xrf0) =	vmin.scan.msk.u32 $0xffff, v22;
	v22 =	vsel vm12, v5, v25  }
0x6c: {  	(xrf0) =	vmin.scan.msk.u32 $0xffff, v22  }
0x6d: {  	(v2sf) =	vpush v29, $0xF;
	_ =	sdelay $0x1  }
0x6e: {  	v22, _, _ =	vpop (xrf0)  }
0x6f: {  	(v2sf) =	vpush v22, $0xF  }
0x70: {  	v22, _, _ =	vpop (xrf0)  }
0x71: {  	(v2sf) =	vpush v22, $0xF;
	v22, _, _ =	vpop (xrf0)  }
0x72: {  	(v2sf) =	vpush v22, $0xF;
	_ =	sdelay $0x1  }
0x73: {  	s30 =	spop (v2sf);
	s13 =	sadd.s32 $0x1, s13  }
0x74: {  	s17 =	sxor.u32 $0x80000000, s30;
	s31 =	spop (v2sf);
	v24 =	vmov s16;
	v25 =	vmov s13  }
0x75: {  	[tilespmem:v30+s7+$0x0] =	vst.idx.msk $0x1, v18;
	v18 =	vmov s17;
	v24 =	vand.u32 $0xFFFFFFFE, v24;
	s13 =	sxor.u32 $0x80000000, s31  }
0x76: {  	s19 =	sadd.s32 $0x1, s16;
	[tilespmem:v30+s8+$0x0] =	vst.idx.msk $0x1, v18;
	v18 =	vmov s13;
	v22 =	vbroadcast v24, $0x0;
	v24 =	vmov s14  }
0x77: {  	s18 =	spop (v2sf);
	[tilespmem:v20+s8+$0x0] =	vst.idx.msk $0x1, v18;
	v18 =	vmov s19;
	v24 =	vand.u32 $0xFFFFFFFE, v24  }
0x78: {  	s20 =	sxor.u32 $0x80000000, s18;
	s21 =	spop (v2sf);
	v24 =	vbroadcast v24, $0x0  }
0x79: {  	s13 =	sxor.u32 $0x80000000, s21;
	[tilespmem:v25+s7+$0x0] =	vst.idx.msk $0x1, v19;
	v19 =	vmov s20  }
0x7a: {  	[tilespmem:v25+s8+$0x0] =	vst.idx.msk $0x1, v19;
	v19 =	vmov s13;
	s23 =	spop (v2sf)  }
0x7b: {  	s22 =	sadd.s32 $0x1, s14;
	[tilespmem:v21+s8+$0x0] =	vst.idx.msk $0x1, v19;
	s25 =	sxor.u32 $0x80000000, s23  }
0x7c: {  	s24 =	simm.s32 $0x0;
	v20 =	vmov s22;
	[tilespmem:v18+s7+$0x0] =	vst.idx.msk $0x1, v38;
	v19 =	vmov s25  }
0x7d: {  	v25 =	vor.u32 s24, v0;
	[tilespmem:v18+s8+$0x0] =	vst.idx.msk $0x1, v19;
	s26 =	spop (v2sf)  }
0x7e: {  	[tilespmem:v24+s7+$0x0] =	vst.idx.msk $0x1, v23;
	v23 =	vmul.u32 $0x60, v25;
	s28 =	sxor.u32 $0x80000000, s26  }
0x7f: {  	[tilespmem:v22+s7+$0x0] =	vst.idx.msk $0x1, v26;
	v18 =	vmov s28;
	s29 =	spop (v2sf)  }
0x80: {  	[tilespmem:v22+s8+$0x0] =	vst.idx.msk $0x1, v18;
	s13 =	sxor.u32 $0x80000000, s29;
	v18 =	vor.u32 $0x3, v23;
	s30 =	spop (v2sf)  }
0x81: {  	[tilespmem:v20+s7+$0x0] =	vst.idx.msk $0x1, v31;
	v21 =	vor.u32 $0x2, v23;
	v19 =	vmov s13;
	s31 =	sxor.u32 $0x80000000, s30  }
0x82: {  	[tilespmem:v20+s8+$0x0] =	vst.idx.msk $0x1, v19;
	v19 =	vmov s31  }
0x83: {  	v22 =	vor.u32 $0x4, v23;
	[tilespmem:v24+s8+$0x0] =	vst.idx.msk $0x1, v19  }
0x84: {  	v24 =	vld [tilespmem:s12+$0xFFFFFFF0]  }
0x85: {  	v20 =	vor.u32 $0x1, v23;
	v26 =	vld.idx.msk [tilespmem:v18+s2+$0x0], $0xffff  }
0x86: {  	v19 =	vor.u32 s15, v0;
	v27 =	vld.idx.msk [tilespmem:v21+s2+$0x0], $0xffff  }
0x87: {  	v30 =	vmul.u32 $0x60, v19;
	v48 =	vld.idx.msk [tilespmem:v23+s2+$0x0], $0xffff  }
0x88: {  	v49 =	vld.idx.msk [tilespmem:v22+s2+$0x0], $0xffff  }
0x89: {  	v51 =	vshll.u32 v25, $0x3;
	v50 =	vld [tilespmem:s11+$0xFFFFFFF0];
	v28 =	vor.u32 $0x1, v30  }
0x8a: {  	v52 =	vor.u32 $0x1, v51;
	v53 =	vor.u32 $0x2, v51;
	v55 =	vor.u32 $0x3, v51;
	v31 =	vld.idx.msk [tilespmem:v20+s2+$0x0], $0xffff  }
0x8b: {  	v21 =	vshll.u32 v19, $0x3;
	v29 =	vor.u32 $0x2, v30;
	v54 =	vmul.f32 $5.000000000e-01, v27  }
0x8c: {  	v62 =	vor.u32 $0x3, v30;
	v25 =	vmul.f32 $5.000000000e-01, v26;
	v56 =	vand.u32 $0xFFFFFFFD, v24  }
0x8d: {  	v58 =	vcvt.s32.f32 v24;
	vm13 =	vlt.s32 v24, $0x4;
	v24 =	vsub.f32 v48, v54  }
0x8e: {  	v18 =	vor.u32 $0x2, v21;
	v63 =	vor.u32 $0x4, v30;
	v27 =	vld.idx.msk [tilespmem:v28+s2+$0x0], $0xffff;
	v28 =	vmul.f32 v50, v49  }
0x8f: {  	vm14 =	veq.s32 v56, $0x5;
	v57 =	vsub.f32 v31, v25;
	v24 =	vmul.f32 v24, v14  }
0x90: {  	v60 =	vld [tilespmem:s11+$0x0];
	v25 =	vadd.f32 v25, v31;
	vm0 =	vmor vm13, vm14;
	vm15 =	vge.f32 v28, $2.500000000e-01  }
0x91: {  	v59 =	vld.idx.msk [tilespmem:v29+s2+$0x0], $0xffff;
	v29 =	vadd.f32 $-1.400000000e+02, v57;
	vm0 =	vmand vm15, vm0;
	v24 =	vadd.f32 $1.258291200e+07, v24  }
0x92: {  	v19 =	vor.u32 $0x3, v21;
	v32 =	vld.idx.msk [tilespmem:v62+s2+$0x0], $0xffff;
	v31 =	vadd.f32 v54, v48;
	v28 =	vnsel vm0, $0xBF800000, v28  }
0x93: {  	v33 =	vld.idx.msk [tilespmem:v63+s2+$0x0], $0xffff;
	v61 =	vadd.f32 $-1.400000000e+02, v25;
	v29 =	vmul.f32 v29, v14;
	[tilespmem:v51+s9+$0x0] =	vst.idx.msk $0xffff, v28;
	v24 =	vadd.f32 $-1.258291200e+07, v24  }
0x94: {  	v23 =	vor.u32 $0x4, v21;
	v22 =	vor.u32 $0x5, v21;
	v25 =	vld [tilespmem:s12+$0x0];
	v31 =	vmul.f32 v31, v14;
	[tilespmem:v52+s9+$0x0] =	vst.idx.msk $0xffff, v58  }
0x95: {  	v26 =	vor.u32 $0x4, v51;
	v34 =	vmul.f32 v61, v14;
	v62 =	vadd.f32 $1.258291200e+07, v29;
	[tilespmem:v53+s9+$0x0] =	vst.idx.msk $0xffff, v24;
	v24 =	vld.idx.msk [tilespmem:v30+s2+$0x0], $0xffff  }
0x96: {  	v20 =	vor.u32 $0x1, v21;
	v31 =	vadd.f32 $1.258291200e+07, v31;
	v29 =	vor.u32 $0x5, v51  }
0x97: {  	v63 =	vadd.f32 $1.258291200e+07, v34;
	v34 =	vmul.f32 $5.000000000e-01, v32;
	v36 =	vadd.f32 $-1.258291200e+07, v62  }
0x98: {  	v28 =	vmul.f32 v60, v33;
	v33 =	vmul.f32 $5.000000000e-01, v59;
	v31 =	vadd.f32 $-1.258291200e+07, v31  }
0x99: {  	s14 =	simm.s32 $0x30;
	s13 =	simm.s32 $0x0;
	v32 =	vadd.f32 $-1.258291200e+07, v63;
	v30 =	vand.u32 $0xFFFFFFFD, v25;
	v35 =	vsub.f32 v27, v34;
	[tilespmem:v55+s9+$0x0] =	vst.idx.msk $0xffff, v36  }
.LBB2_4:
0x9a: {  	s15 =	sadd.s32 $0xFFFFFFF0, s14;
	v36 =	vor.u32 s14, v0;
	[tilespmem:v26+s9+$0x0] =	vst.idx.msk $0xffff, v31;
	v26 =	vsub.f32 v24, v33;
	v27 =	vadd.f32 v34, v27  }
0x9b: {  	v31 =	vor.u32 s15, v0;
	v34 =	vmul.u32 $0x60, v36;
	[tilespmem:v29+s9+$0x0] =	vst.idx.msk $0xffff, v32;
	v29 =	vadd.f32 $-1.400000000e+02, v35  }
0x9c: {  	s13 =	sadd.s32 $0x2, s13;
	v24 =	vadd.f32 v33, v24;
	v32 =	vmul.u32 $0x60, v31;
	v27 =	vadd.f32 $-1.400000000e+02, v27  }
0x9d: {  	p0 =	slt.u32 s13, $0x26;
	v33 =	vor.u32 $0x1, v34;
	v35 =	vor.u32 $0x2, v34;
	v37 =	vor.u32 $0x3, v34  }
0x9e: {  	v39 =	vor.u32 $0x4, v34;
	v29 =	vmul.f32 v29, v14;
	v38 =	vor.u32 $0x3, v32  }
0x9f: {  	v26 =	vmul.f32 v26, v14;
	v40 =	vor.u32 $0x2, v32;
	v27 =	vmul.f32 v27, v14  }
0xa0: {  	v42 =	vmul.f32 v24, v14;
	v41 =	vor.u32 $0x1, v32;
	v29 =	vadd.f32 $1.258291200e+07, v29  }
0xa1: {  	vm0 =	veq.s32 v30, $0x5;
	s12 =	sadd.s32 $0x20, s12;
	v26 =	vadd.f32 $1.258291200e+07, v26;
	v27 =	vadd.f32 $1.258291200e+07, v27;
	v24 =	vld.idx.msk [tilespmem:v34+s2+$0x0], $0xffff  }
0xa2: {  	vm1 =	vlt.s32 v25, $0x4;
	v30 =	vor.u32 $0x4, v32;
	v42 =	vadd.f32 $1.258291200e+07, v42;
	v34 =	vld [tilespmem:s12+$0xFFFFFFF0]  }
0xa3: {  	vm0 =	vmor vm1, vm0;
	vm1 =	vge.f32 v28, $2.500000000e-01;
	v29 =	vadd.f32 $-1.258291200e+07, v29;
	v38 =	vld.idx.msk [tilespmem:v38+s2+$0x0], $0xffff  }
0xa4: {  	vm0 =	vmand vm1, vm0;
	v26 =	vadd.f32 $-1.258291200e+07, v26;
	v43 =	vadd.f32 $-1.258291200e+07, v27;
	v40 =	vld.idx.msk [tilespmem:v40+s2+$0x0], $0xffff  }
0xa5: {  	v25 =	vcvt.s32.f32 v25;
	v27 =	vshll.u32 v36, $0x3;
	v36 =	vadd.f32 $-1.258291200e+07, v42;
	v41 =	vld.idx.msk [tilespmem:v41+s2+$0x0], $0xffff  }
0xa6: {  	v28 =	vnsel vm0, $0xBF800000, v28;
	v42 =	vor.u32 $0x1, v27;
	v44 =	vor.u32 $0x2, v27;
	v32 =	vld.idx.msk [tilespmem:v32+s2+$0x0], $0xffff  }
0xa7: {  	s11 =	sadd.s32 $0x20, s11;
	v45 =	vor.u32 $0x3, v27;
	v46 =	vor.u32 $0x4, v27;
	v47 =	vor.u32 $0x5, v27;
	v30 =	vld.idx.msk [tilespmem:v30+s2+$0x0], $0xffff;
	[tilespmem:v21+s9+$0x0] =	vst.idx.msk $0xffff, v28;
	v21 =	vmovc v27  }
0xa8: {  	v31 =	vshll.u32 v31, $0x3;
	v28 =	vld [tilespmem:s11+$0xFFFFFFF0];
	[tilespmem:v20+s9+$0x0] =	vst.idx.msk $0xffff, v25;
	v20 =	vmov v42  }
0xa9: {  	v25 =	vmul.f32 $5.000000000e-01, v38;
	v38 =	vor.u32 $0x1, v31;
	v42 =	vor.u32 $0x2, v31;
	v37 =	vld.idx.msk [tilespmem:v37+s2+$0x0], $0xffff;
	[tilespmem:v18+s9+$0x0] =	vst.idx.msk $0xffff, v26;
	v18 =	vmovc v44  }
0xaa: {  	v40 =	vmul.f32 $5.000000000e-01, v40;
	v44 =	vor.u32 $0x3, v31;
	v26 =	vor.u32 $0x4, v31;
	v27 =	vld.idx.msk [tilespmem:v33+s2+$0x0], $0xffff;
	[tilespmem:v19+s9+$0x0] =	vst.idx.msk $0xffff, v29;
	v19 =	vmovc v45  }
0xab: {  	v29 =	vand.u32 $0xFFFFFFFD, v34;
	v33 =	vsub.f32 v41, v25;
	v45 =	vcvt.s32.f32 v34;
	v35 =	vld.idx.msk [tilespmem:v35+s2+$0x0], $0xffff;
	[tilespmem:v23+s9+$0x0] =	vst.idx.msk $0xffff, v36  }
0xac: {  	vm0 =	vlt.s32 v34, $0x4;
	vm1 =	veq.s32 v29, $0x5;
	v29 =	vsub.f32 v32, v40;
	v36 =	vld.idx.msk [tilespmem:v39+s2+$0x0], $0xffff;
	[tilespmem:v22+s9+$0x0] =	vst.idx.msk $0xffff, v43  }
0xad: {  	v23 =	vmovc v46;
	v22 =	vmovc v47;
	v28 =	vmul.f32 v28, v30;
	v30 =	vadd.f32 $-1.400000000e+02, v33;
	v33 =	vadd.f32 v25, v41;
	v39 =	vld [tilespmem:s11+$0x0]  }
0xae: {  	v32 =	vadd.f32 v40, v32;
	vm0 =	vmor vm0, vm1;
	v29 =	vmul.f32 v29, v14;
	v25 =	vld [tilespmem:s12+$0x0]  }
0xaf: {  	vm1 =	vge.f32 v28, $2.500000000e-01;
	v30 =	vmul.f32 v30, v14;
	v33 =	vadd.f32 $-1.400000000e+02, v33  }
0xb0: {  	v32 =	vmul.f32 v32, v14;
	v29 =	vadd.f32 $1.258291200e+07, v29;
	vm0 =	vmand vm1, vm0  }
.Ltmp1:
0xb1: {  	v28 =	vnsel vm0, $0xBF800000, v28;
	v33 =	vmul.f32 v33, v14;
	v30 =	vadd.f32 $1.258291200e+07, v30;
	(pc) =	sbr.rel @p0 .LBB2_4-.Ltmp1, $4  }
0xb2: {  	v32 =	vadd.f32 $1.258291200e+07, v32;
	v40 =	vadd.f32 $-1.258291200e+07, v29;
	v29 =	vor.u32 $0x5, v31;
	[tilespmem:v31+s9+$0x0] =	vst.idx.msk $0xffff, v28  }
0xb3: {  	v34 =	vmul.f32 $5.000000000e-01, v37;
	v30 =	vadd.f32 $-1.258291200e+07, v30;
	v41 =	vadd.f32 $1.258291200e+07, v33;
	[tilespmem:v38+s9+$0x0] =	vst.idx.msk $0xffff, v45  }
0xb4: {  	v31 =	vadd.f32 $-1.258291200e+07, v32;
	v28 =	vmul.f32 v39, v36;
	v33 =	vmul.f32 $5.000000000e-01, v35;
	[tilespmem:v42+s9+$0x0] =	vst.idx.msk $0xffff, v40  }
0xb5: {  	s14 =	sadd.s32 $0x20, s14;
	v35 =	vsub.f32 v27, v34;
	v32 =	vadd.f32 $-1.258291200e+07, v41;
	[tilespmem:v44+s9+$0x0] =	vst.idx.msk $0xffff, v30;
	v30 =	vand.u32 $0xFFFFFFFD, v25  }
0xb6: {  	v27 =	vadd.f32 v34, v27  }
0xb7: {  	v45 =	vsub.f32 v24, v33;
	v46 =	vadd.f32 v33, v24  }
0xb8: {  	vm0 =	veq.s32 v30, $0x5;
	vm1 =	vlt.s32 v25, $0x4;
	v44 =	vadd.f32 $-1.400000000e+02, v35  }
0xb9: {  	vm12 =	vge.f32 v28, $2.500000000e-01;
	v51 =	vcvt.s32.f32 v25;
	v48 =	vmul.f32 v45, v14  }
0xba: {  	vm0 =	vmor vm1, vm0;
	v27 =	vadd.f32 $-1.400000000e+02, v27;
	v47 =	vmul.f32 v44, v14  }
0xbb: {  	[tilespmem:v26+s9+$0x0] =	vst.idx.msk $0xffff, v31;
	v24 =	vmul.f32 v46, v14;
	vm0 =	vmand vm12, vm0;
	v49 =	vadd.f32 $1.258291200e+07, v48  }
0xbc: {  	[tilespmem:v29+s9+$0x0] =	vst.idx.msk $0xffff, v32;
	v52 =	vnsel vm0, $0xBF800000, v28;
	v27 =	vmul.f32 v27, v14;
	v50 =	vadd.f32 $1.258291200e+07, v47  }
0xbd: {  	v24 =	vadd.f32 $1.258291200e+07, v24;
	[tilespmem:v21+s9+$0x0] =	vst.idx.msk $0xffff, v52;
	v26 =	vadd.f32 $-1.258291200e+07, v49  }
0xbe: {  	[tilespmem:v20+s9+$0x0] =	vst.idx.msk $0xffff, v51;
	v53 =	vadd.f32 $1.258291200e+07, v27;
	v54 =	vadd.f32 $-1.258291200e+07, v50  }
0xbf: {  	v55 =	vadd.f32 $-1.258291200e+07, v24;
	[tilespmem:v18+s9+$0x0] =	vst.idx.msk $0xffff, v26  }
0xc0: {  	v18 =	vadd.f32 $-1.258291200e+07, v53;
	[tilespmem:v19+s9+$0x0] =	vst.idx.msk $0xffff, v54  }
0xc1: {  	[tilespmem:v23+s9+$0x0] =	vst.idx.msk $0xffff, v55  }
0xc2: {  	[tilespmem:v22+s9+$0x0] =	vst.idx.msk $0xffff, v18  }
0xc3: {  	v18 =	vld.idx.msk [tilespmem:v7+s2+$0x0], $0xffff  }
0xc4: {  	v19 =	vld.idx.msk [tilespmem:v8+s2+$0x0], $0xffff  }
0xc5: {  	v20 =	vld.idx.msk [tilespmem:v9+s2+$0x0], $0xffff  }
0xc6: {  	v56 =	vld.idx.msk [tilespmem:v10+s2+$0x0], $0xffff  }
0xc7: {  	v22 =	vld [tilespmem:$0xF880]  }
0xc8: {  	v23 =	vld [tilespmem:$0xFB80]  }
0xc9: {  	v57 =	vld.idx.msk [tilespmem:v6+s2+$0x0], $0xffff;
	_ =	sdelay $0x1  }
0xca: {  	v20 =	vmul.f32 $5.000000000e-01, v20  }
0xcb: {  	v19 =	vmul.f32 $5.000000000e-01, v19  }
0xcc: {  	v21 =	vmul.f32 v22, v56;
	v58 =	vand.u32 $0xFFFFFFFD, v23;
	v59 =	vsub.f32 v18, v20  }
0xcd: {  	vm13 =	vlt.s32 v23, $0x4;
	v23 =	vcvt.s32.f32 v23;
	v60 =	vsub.f32 v57, v19  }
0xce: {  	vm14 =	veq.s32 v58, $0x5;
	v18 =	vadd.f32 v20, v18;
	v25 =	vadd.f32 $-1.400000000e+02, v59  }
0xcf: {  	vm0 =	vmor vm13, vm14;
	v19 =	vadd.f32 v19, v57;
	v61 =	vmul.f32 v60, v14  }
0xd0: {  	vm15 =	vge.f32 v21, $2.500000000e-01;
	v18 =	vadd.f32 $-1.400000000e+02, v18;
	v62 =	vmul.f32 v25, v14  }
0xd1: {  	vm0 =	vmand vm15, vm0;
	v19 =	vmul.f32 v19, v14;
	v20 =	vadd.f32 $1.258291200e+07, v61  }
0xd2: {  	v21 =	vnsel vm0, $0xBF800000, v21;
	v18 =	vmul.f32 v18, v14;
	v22 =	vadd.f32 $1.258291200e+07, v62  }
0xd3: {  	[tilespmem:v11+s9+$0x0] =	vst.idx.msk $0xffff, v21;
	v19 =	vadd.f32 $1.258291200e+07, v19;
	v20 =	vadd.f32 $-1.258291200e+07, v20  }
0xd4: {  	[tilespmem:v12+s9+$0x0] =	vst.idx.msk $0xffff, v23;
	v18 =	vadd.f32 $1.258291200e+07, v18;
	v63 =	vadd.f32 $-1.258291200e+07, v22  }
0xd5: {  	v19 =	vadd.f32 $-1.258291200e+07, v19;
	[tilespmem:v13+s9+$0x0] =	vst.idx.msk $0xffff, v20  }
0xd6: {  	s10 =	sadd.s32 $0x1, s10;
	v18 =	vadd.f32 $-1.258291200e+07, v18;
	[tilespmem:v15+s9+$0x0] =	vst.idx.msk $0xffff, v63  }
0xd7: {  	p0 =	sne.s32 s10, s5;
	[tilespmem:v16+s9+$0x0] =	vst.idx.msk $0xffff, v19  }
.Ltmp2:
0xd8: {  	[tilespmem:v17+s9+$0x0] =	vst.idx.msk $0xffff, v18;
	(pc) =	sbr.rel @p0 .LBB2_1-.Ltmp2, $4  }
0xd9: {  	[hbm4b:s4+s2] =	stream.linear.scatter [tilespmem:s9], [sflag:$0x1], $0x1480, $0x38;
	[tilespmem:$0x11080] =	vst v63  }
0xda: {  	_ =	swait.ge [sflag:s6], $0x1480  }
0xdb: {  	[sflag:s6] =	ssyncset.done $0x0  }
0xdc: {  	[sflag:s6] =	ssyncadd.s32 $0xFFFFEB80  }
0xdd: {  	_ =	sfence.sel $0x180000  }
0xde: {  	[bflag:$0x0] =	sbarrier.arrive $0xFFFF  }
0xdf: {  	p0 =	sne.s32 s1, $0x0;
	_ =	strace $0x90000047  }
0xe0: {  	s0 =	sadd.s32 @!p0 $0x100000, s0;
	[bflag:$0x2] =	sbarrier.arrive $0xFFFF  }
0xe1: {  	[sflag:s0] =	ssyncadd.tile.s32 @!p0 $0x1;
	_ =	shalt  }
.Lfunc_end2:
_tile_overlayer_lowered:
.L_overlay_start_2:
0xe2: {  	(tag) =	ssettag $0x2  }
0xe3: {  	s0 =	rddreg [dreg:$0x0];
	s2 =	stileid.u32  }
0xe4: {  	s1 =	rddreg [dreg:$0x1];
	p0 =	sne.s32 s2, $0x0  }
0xe5: {  	s3 =	rddreg [dreg:$0x2];
	[bflag:$0x3] =	sbarrier.arrive $0xFFFF;
	s2 =	simm.s32 @!p0 $0x1C01  }
0xe6: {  	[timem:s3], [sflag:s2] =	dma.local @!p0 [hbm:s0], s1  }
0xe7: {  	s0 =	simm.s32 @!p0 $0x1  }
0xe8: {  	_ =	swait.ge @!p0 [sflag:s0], s1  }
0xe9: {  	s1 =	ssub.s32 @!p0 $0x0, s1;
	[sflag:s0] =	ssyncset.done @!p0 $0x0  }
0xea: {  	[sflag:s0] =	ssyncadd.s32 @!p0 s1  }
0xeb: {  	[bflag:$0x3] =	sbarrier.arrive $0xFFFF  }
0xec: {  	_ =	shalt  }

</sc_bundles>
